<compile_context>
chip_gen: v7x
topology: tpu7x:2x2x1
jax: 0.10.2.dev20260603
libtpu: 0.0.44.dev20260713+nightly
codegen_flags: <defaults>
</compile_context>

<pallas_src>
import functools

import jax
import jax.numpy as jnp
from jax import lax
from jax.experimental import pallas as pl
from jax.experimental.pallas import tpu as pltpu
from jax.experimental.pallas import tpu_sc as plsc

POOL_SIZE = 8
VOCAB = 1024
N_CB = 4
SEG_LEN = 96
NUM_CODES = 1024
EMB_DIM = 128
LATENT = 256
HIDDEN = 512
BETA = 0.1
B = 64

BB = 16

_SC_CH = 768


def _build_embed_gather(total_rows):
    info = plsc.get_sparse_core_info()
    nw = info.num_cores * info.num_subcores
    per_w = total_rows // nw
    nch = per_w // _SC_CH
    mesh = plsc.VectorSubcoreMesh(core_axis_name="c", subcore_axis_name="s")

    @functools.partial(
        pl.kernel, mesh=mesh,
        out_type=jax.ShapeDtypeStruct((total_rows, EMB_DIM), jnp.float32),
        scratch_types=[
            pltpu.VMEM((per_w,), jnp.int32),
            pltpu.VMEM((_SC_CH, EMB_DIM), jnp.float32),
            pltpu.SemaphoreType.DMA,
        ],
    )
    def gather(emb_hbm, idx_hbm, out_hbm, idx_v, r0, s0):
        wid = lax.axis_index("s") * info.num_cores + lax.axis_index("c")
        base = wid * per_w
        pltpu.sync_copy(idx_hbm.at[pl.ds(base, per_w)], idx_v)
        for i in range(nch):
            pltpu.async_copy(
                emb_hbm.at[idx_v.at[pl.ds(i * _SC_CH, _SC_CH)]], r0,
                s0).wait()
            pltpu.sync_copy(r0, out_hbm.at[pl.ds(base + i * _SC_CH, _SC_CH)])

    return gather


def _encoder_vq_body(x_ref, c1m_ref, c1b_ref, c2m_ref, c2b_ref, c3t_ref,
                     c3b_ref, cbt_ref, cb_ref, ze_ref, zq_ref):
    f32 = jnp.float32
    x = x_ref[...]

    def conv(xin, wm_ref, b_ref):
        z = jnp.dot(xin.reshape(BB * SEG_LEN, HIDDEN).astype(jnp.bfloat16),
                    wm_ref[...].astype(jnp.bfloat16),
                    preferred_element_type=f32)
        z = z.reshape(BB, SEG_LEN, 3 * HIDDEN)
        z0 = z[:, :, :HIDDEN]
        z1 = z[:, :, HIDDEN:2 * HIDDEN]
        z2 = z[:, :, 2 * HIDDEN:]
        zrow = jnp.zeros((BB, 1, HIDDEN), f32)
        y = (z1
             + jnp.concatenate([zrow, z0[:, :-1, :]], axis=1)
             + jnp.concatenate([z2[:, 1:, :], zrow], axis=1)
             + b_ref[...].reshape(1, 1, HIDDEN))
        return jnp.maximum(y, 0.0)

    y = conv(x, c1m_ref, c1b_ref)
    y = conv(y, c2m_ref, c2b_ref)
    p = y.reshape(BB, POOL_SIZE, SEG_LEN // POOL_SIZE, HIDDEN).mean(axis=2)
    ze = (jnp.dot(p.reshape(BB * POOL_SIZE, HIDDEN), c3t_ref[...],
                  preferred_element_type=f32)
          + c3b_ref[...].reshape(1, LATENT))

    cbt = cbt_ref[...]
    cbsq = jnp.sum(cbt * cbt, axis=0).reshape(1, NUM_CODES)
    cross = jnp.dot(ze, cbt, preferred_element_type=f32)
    dist = jnp.sum(ze * ze, axis=1, keepdims=True) - 2.0 * cross + cbsq
    md = jnp.min(dist, axis=1, keepdims=True)
    iota = jax.lax.broadcasted_iota(jnp.int32, (BB * POOL_SIZE, NUM_CODES), 1)
    code = jnp.min(jnp.where(dist <= md, iota, NUM_CODES), axis=1,
                   keepdims=True)
    onehot = (iota == code).astype(f32)
    zq = jnp.dot(onehot, cb_ref[...], preferred_element_type=f32)

    ze_ref[...] = ze.reshape(BB, POOL_SIZE, LATENT)
    zq_ref[...] = zq.reshape(BB, POOL_SIZE, LATENT)


def _build_label_gather():
    info = plsc.get_sparse_core_info()
    nw = info.num_cores * info.num_subcores
    mesh = plsc.VectorSubcoreMesh(core_axis_name="c", subcore_axis_name="s")
    per_w = (B * SEG_LEN * N_CB) // nw

    @functools.partial(
        pl.kernel, mesh=mesh,
        out_type=jax.ShapeDtypeStruct((nw, 16), jnp.float32),
        scratch_types=[
            pltpu.VMEM((per_w,), jnp.int32),
            pltpu.VMEM((per_w,), jnp.float32),
            pltpu.VMEM((16,), jnp.float32),
            pltpu.SemaphoreType.DMA,
        ],
    )
    def gather(ltab_hbm, idx_hbm, out_hbm, idx_v, vals_v, part_v, sem):
        wid = lax.axis_index("s") * info.num_cores + lax.axis_index("c")
        base = wid * per_w
        pltpu.sync_copy(idx_hbm.at[pl.ds(base, per_w)], idx_v)
        pltpu.async_copy(ltab_hbm.at[idx_v], vals_v, sem).wait()
        acc = jnp.zeros((16,), jnp.float32)
        for i in range(per_w // 16):
            acc = acc + vals_v[pl.ds(i * 16, 16)]
        part_v[...] = acc
        pltpu.sync_copy(part_v, out_hbm.at[wid])

    return gather


def _decoder_loss_body(zep_ref, zqp_ref, zec_ref, zqc_ref, zen_ref, zqn_ref,
                       lab_ref, fc1t_ref, fc1b_ref, fc2t_ref,
                       fc2b_ref, d1s_ref, d1b_ref, d2m_ref, d2b_ref,
                       logits_ref, idx_ref, out_ref):
    f32 = jnp.float32
    commit = (jnp.sum((zep_ref[...] - zqp_ref[...]) ** 2)
              + jnp.sum((zec_ref[...] - zqc_ref[...]) ** 2)
              + jnp.sum((zen_ref[...] - zqn_ref[...]) ** 2))

    hp = zqp_ref[...].reshape(B, POOL_SIZE * LATENT)
    hc = zqc_ref[...].reshape(B, POOL_SIZE * LATENT)
    hn = zqn_ref[...].reshape(B, POOL_SIZE * LATENT)
    h0 = jnp.concatenate([hp, hc, hn], axis=1)

    dn_t = (((1,), (1,)), ((), ()))
    h1 = jnp.maximum(lax.dot_general(h0, fc1t_ref[...], dn_t,
                                     preferred_element_type=f32)
                     + fc1b_ref[...].reshape(1, HIDDEN), 0.0)
    h2 = jnp.maximum(lax.dot_general(h1, fc2t_ref[...], dn_t,
                                     preferred_element_type=f32)
                     + fc2b_ref[...].reshape(1, HIDDEN), 0.0)

    d1 = d1s_ref[...]
    a0 = d1[0] + d1[1]
    a1 = d1[0] + d1[1] + d1[2]
    a2 = d1[1] + d1[2]
    d1b = d1b_ref[...].reshape(1, HIDDEN)
    x0 = jnp.maximum(jnp.dot(h2, a0, preferred_element_type=f32) + d1b, 0.0)
    x1 = jnp.maximum(jnp.dot(h2, a1, preferred_element_type=f32) + d1b, 0.0)
    x2 = jnp.maximum(jnp.dot(h2, a2, preferred_element_type=f32) + d1b, 0.0)
    xcat = jnp.concatenate([x0, x1, x2], axis=0)
    logits = (jnp.dot(xcat, d2m_ref[...], preferred_element_type=f32)
              + d2b_ref[...].reshape(1, N_CB * VOCAB))

    logits_ref[...] = logits

    lab = lab_ref[...]
    t_i = jax.lax.broadcasted_iota(jnp.int32, (B, SEG_LEN, N_CB), 1)
    b_i = jax.lax.broadcasted_iota(jnp.int32, (B, SEG_LEN, N_CB), 0)
    c_i = jax.lax.broadcasted_iota(jnp.int32, (B, SEG_LEN, N_CB), 2)
    cls = jnp.where(t_i == 0, 0, jnp.where(t_i == SEG_LEN - 1, 2, 1))
    idx_ref[...] = (cls * B + b_i) * (N_CB * VOCAB) + c_i * VOCAB + lab

    row = jax.lax.broadcasted_iota(jnp.int32, (3 * B, 1), 0)
    wrow = jnp.where((row >= B) & (row < 2 * B), 94.0, 1.0)

    total_logz = jnp.zeros((), f32)
    for c in range(N_CB):
        lc = logits[:, c * VOCAB:(c + 1) * VOCAB]
        m = jnp.max(lc, axis=1, keepdims=True)
        s = jnp.sum(jnp.exp(lc - m), axis=1, keepdims=True)
        logz = m + jnp.log(s)
        total_logz += jnp.sum(wrow * logz)

    partial = (total_logz / (B * SEG_LEN * N_CB)
               + BETA * commit / (B * POOL_SIZE * LATENT))
    out_ref[...] = jnp.reshape(partial, (1, 1))


@jax.jit
def _run(tokens_prev, tokens_curr, tokens_next, emb, c1w, c1b, c2w, c2b, c3w,
         c3b, codebook, fc1w, fc1b, fc2w, fc2b, d1w, d1b, d2w, d2b):
    f32 = jnp.float32
    rows_per_set = B * SEG_LEN * N_CB
    egather = _build_embed_gather(rows_per_set)
    xs = [egather(emb, t.reshape(-1)).reshape(B, SEG_LEN, N_CB * EMB_DIM)
          for t in (tokens_prev, tokens_curr, tokens_next)]

    c1m = jnp.transpose(c1w, (1, 2, 0)).reshape(HIDDEN, 3 * HIDDEN)
    c1m = c1m.astype(jnp.bfloat16)
    c2m = jnp.transpose(c2w, (1, 2, 0)).reshape(HIDDEN, 3 * HIDDEN)
    c2m = c2m.astype(jnp.bfloat16)
    c3t = c3w.T
    cbt = codebook.T

    enc = pl.pallas_call(
        _encoder_vq_body,
        grid=(B // BB,),
        in_specs=[
            pl.BlockSpec((BB, SEG_LEN, N_CB * EMB_DIM), lambda i: (i, 0, 0)),
            pl.BlockSpec((HIDDEN, 3 * HIDDEN), lambda i: (0, 0)),
            pl.BlockSpec((1, HIDDEN), lambda i: (0, 0)),
            pl.BlockSpec((HIDDEN, 3 * HIDDEN), lambda i: (0, 0)),
            pl.BlockSpec((1, HIDDEN), lambda i: (0, 0)),
            pl.BlockSpec((HIDDEN, LATENT), lambda i: (0, 0)),
            pl.BlockSpec((1, LATENT), lambda i: (0, 0)),
            pl.BlockSpec((LATENT, NUM_CODES), lambda i: (0, 0)),
            pl.BlockSpec((NUM_CODES, LATENT), lambda i: (0, 0)),
        ],
        out_specs=[
            pl.BlockSpec((BB, POOL_SIZE, LATENT), lambda i: (i, 0, 0)),
            pl.BlockSpec((BB, POOL_SIZE, LATENT), lambda i: (i, 0, 0)),
        ],
        out_shape=[
            jax.ShapeDtypeStruct((B, POOL_SIZE, LATENT), f32),
            jax.ShapeDtypeStruct((B, POOL_SIZE, LATENT), f32),
        ],
    )
    pairs = [enc(xset, c1m, c1b.reshape(1, HIDDEN), c2m,
                 c2b.reshape(1, HIDDEN), c3t, c3b.reshape(1, LATENT), cbt,
                 codebook) for xset in xs]

    d1s = jnp.transpose(d1w, (2, 0, 1))
    logits, idx, part = pl.pallas_call(
        _decoder_loss_body,
        out_shape=[
            jax.ShapeDtypeStruct((3 * B, N_CB * VOCAB), f32),
            jax.ShapeDtypeStruct((B, SEG_LEN, N_CB), jnp.int32),
            jax.ShapeDtypeStruct((1, 1), f32),
        ],
    )(pairs[0][0], pairs[0][1], pairs[1][0], pairs[1][1], pairs[2][0],
      pairs[2][1], tokens_curr, fc1w, fc1b.reshape(1, HIDDEN), fc2w,
      fc2b.reshape(1, HIDDEN), d1s, d1b.reshape(1, HIDDEN), d2w[:, :, 0],
      d2b.reshape(1, N_CB * VOCAB))

    parts = _build_label_gather()(logits.reshape(-1), idx.reshape(-1))
    return part[0, 0] - jnp.sum(parts) / (B * SEG_LEN * N_CB)


def kernel(tokens_prev, tokens_curr, tokens_next, emb, c1w, c1b, c2w, c2b,
           c3w, c3b, codebook, fc1w, fc1b, fc2w, fc2b, d1w, d1b, d2w, d2b):
    return _run(tokens_prev, tokens_curr, tokens_next, emb, c1w, c1b, c2w,
                c2b, c3w, c3b, codebook, fc1w, fc1b, fc2w, fc2b, d1w, d1b,
                d2w, d2b)

# --- scband reference (transcript-rebuilt; emitter-appended) ---
"""Pipeline reference for scband-segment-vqvae-70351564308896 (READ-ONLY COPY).

The authoritative reference and input builder live on the scoring server;
editing this copy changes nothing except your own understanding.
"""

import jax, jax.numpy as jnp
import numpy as np

POOL_SIZE = 8
VOCAB = 1024
N_CB = 4
SEG_LEN = 96
NUM_CODES = 1024
EMB_DIM = 128
LATENT = 256
HIDDEN = 512
BETA = 0.1
B = 64


def conv1d(x, w, b, pad):
    out = jax.lax.conv_general_dilated(x, w, (1,), [(pad, pad)], dimension_numbers=('NCH', 'OIH', 'NCH'))
    return out + b[None, :, None]


def adaptive_avg_pool1d(x, out_size):
    T = x.shape[-1]
    segs = []
    for i in range(out_size):
        s = (i * T) // out_size
        e = ((i + 1) * T + out_size - 1) // out_size
        segs.append(x[..., s:e].mean(-1))
    return jnp.stack(segs, axis=-1)


def setup_inputs(seed: int = 0):
    key = jax.random.key(seed)
    ks = [jax.random.fold_in(key, i) for i in range(20)]
    inp = {}
    inp['tokens_prev'] = jax.random.randint(ks[0], (B, SEG_LEN, N_CB), 0, VOCAB, dtype=jnp.int32)
    inp['tokens_curr'] = jax.random.randint(ks[1], (B, SEG_LEN, N_CB), 0, VOCAB, dtype=jnp.int32)
    inp['tokens_next'] = jax.random.randint(ks[2], (B, SEG_LEN, N_CB), 0, VOCAB, dtype=jnp.int32)
    inp['emb'] = jax.random.normal(ks[3], (VOCAB, EMB_DIM), jnp.float32) * 0.02
    inp['c1w'] = jax.random.normal(ks[4], (HIDDEN, EMB_DIM * N_CB, 3), jnp.float32) * 0.02
    inp['c1b'] = jnp.zeros((HIDDEN,), jnp.float32)
    inp['c2w'] = jax.random.normal(ks[5], (HIDDEN, HIDDEN, 3), jnp.float32) * 0.02
    inp['c2b'] = jnp.zeros((HIDDEN,), jnp.float32)
    inp['c3w'] = jax.random.normal(ks[6], (LATENT, HIDDEN), jnp.float32) * 0.02
    inp['c3b'] = jnp.zeros((LATENT,), jnp.float32)
    inp['codebook'] = jax.random.normal(ks[7], (NUM_CODES, LATENT), jnp.float32)
    inp['fc1w'] = jax.random.normal(ks[8], (HIDDEN, LATENT * POOL_SIZE * 3), jnp.float32) * 0.02
    inp['fc1b'] = jnp.zeros((HIDDEN,), jnp.float32)
    inp['fc2w'] = jax.random.normal(ks[9], (HIDDEN, HIDDEN), jnp.float32) * 0.02
    inp['fc2b'] = jnp.zeros((HIDDEN,), jnp.float32)
    inp['d1w'] = jax.random.normal(ks[10], (HIDDEN, HIDDEN, 3), jnp.float32) * 0.02
    inp['d1b'] = jnp.zeros((HIDDEN,), jnp.float32)
    inp['d2w'] = jax.random.normal(ks[11], (HIDDEN, VOCAB * N_CB, 1), jnp.float32) * 0.02
    inp['d2b'] = jnp.zeros((VOCAB * N_CB,), jnp.float32)
    return inp


def _encoder(tokens, emb, c1w, c1b, c2w, c2b, c3w, c3b):
    Bn, T, C = tokens.shape
    x = emb[tokens].reshape(Bn, T, -1).transpose(0, 2, 1)
    x = jax.nn.relu(conv1d(x, c1w, c1b, 1))
    x = jax.nn.relu(conv1d(x, c2w, c2b, 1))
    x = adaptive_avg_pool1d(x, POOL_SIZE)
    x = jnp.einsum('oi,bit->bot', c3w, x) + c3b[None, :, None]
    return x.transpose(0, 2, 1)


def _vq(z_e, codebook):
    dist = (z_e ** 2).sum(-1, keepdims=True) - 2.0 * (z_e @ codebook.T) + (codebook ** 2).sum(-1)
    codes = jnp.argmin(dist, -1)
    z_q = codebook[codes]
    z_q_st = z_e + jax.lax.stop_gradient(z_q - z_e)
    commit = jnp.mean((z_e - jax.lax.stop_gradient(z_q)) ** 2)
    return z_q_st, codes, BETA * commit


def _decoder(zp, zc, zn, fc1w, fc1b, fc2w, fc2b, d1w, d1b, d2w, d2b):
    z = jnp.concatenate([zp, zc, zn], axis=1)
    Bn = z.shape[0]
    h = z.reshape(Bn, -1)
    h = jax.nn.relu(h @ fc1w.T + fc1b)
    h = jax.nn.relu(h @ fc2w.T + fc2b)
    h = jnp.broadcast_to(h[:, :, None], (Bn, HIDDEN, SEG_LEN))
    w1 = jnp.flip(jnp.transpose(d1w, (1, 0, 2)), axis=2)
    x = jax.nn.relu(conv1d(h, w1, d1b, 1))
    out = jnp.einsum('io,bit->bot', d2w[:, :, 0], x) + d2b[None, :, None]
    out = out.reshape(Bn, N_CB, VOCAB, SEG_LEN).transpose(0, 3, 1, 2)
    return out


def _forward(tokens_prev, tokens_curr, tokens_next, emb, c1w, c1b, c2w, c2b, c3w, c3b, codebook, fc1w, fc1b, fc2w, fc2b, d1w, d1b, d2w, d2b):
    zp, _, vp = _vq(_encoder(tokens_prev, emb, c1w, c1b, c2w, c2b, c3w, c3b), codebook)
    zc, _, vc = _vq(_encoder(tokens_curr, emb, c1w, c1b, c2w, c2b, c3w, c3b), codebook)
    zn, _, vn = _vq(_encoder(tokens_next, emb, c1w, c1b, c2w, c2b, c3w, c3b), codebook)
    logits = _decoder(zp, zc, zn, fc1w, fc1b, fc2w, fc2b, d1w, d1b, d2w, d2b)
    Bn, T, C, V = logits.shape
    flat = logits.reshape(-1, V)
    labels = tokens_curr.reshape(-1)
    logp = jax.nn.log_softmax(flat, axis=-1)
    recon = -jnp.take_along_axis(logp, labels[:, None], axis=1).mean()
    vq_loss = vp + vc + vn
    centered = codebook - codebook.mean(0, keepdims=True)
    diversity = -jnp.mean(centered ** 2)
    total = recon + vq_loss + 0.0 * diversity
    return total


def reference(tokens_prev, tokens_curr, tokens_next, emb, c1w, c1b, c2w, c2b, c3w, c3b, codebook, fc1w, fc1b, fc2w, fc2b, d1w, d1b, d2w, d2b):
    return _forward(tokens_prev, tokens_curr, tokens_next, emb, c1w, c1b, c2w, c2b, c3w, c3b, codebook, fc1w, fc1b, fc2w, fc2b, d1w, d1b, d2w, d2b)

if __name__ == "__main__":
    import jax
    _d = setup_inputs()
    print(jax.jit(kernel)(*tuple(_d.values())))

</pallas_src>

<mosaic_0001>
#map = affine_map<(d0, d1) -> (0, 0)>
#map1 = affine_map<(d0, d1) -> (0)>
module attributes {stable_mosaic.version = 14 : i64} {
  func.func @gather(%arg0: i32, %arg1: i32, %arg2: memref<1024x128xf32, #tpu.memory_space<hbm>>, %arg3: memref<24576xi32, #tpu.memory_space<hbm>>, %arg4: memref<24576x128xf32, #tpu.memory_space<hbm>>, %arg5: memref<768xi32, #tpu.memory_space<vmem>>, %arg6: memref<768x128xf32, #tpu.memory_space<vmem>>, %arg7: memref<!tpu.dma_semaphore, #tpu.memory_space<semaphore_mem>>) attributes {dimension_semantics = [#tpu.dimension_semantics<core_parallel>, #tpu.dimension_semantics<subcore_parallel>], iteration_bounds = array<i64: 2, 16>, scalar_prefetch = 0 : i64, scratch_operands = 3 : i64, tpu.core_type = #tpu.core_type<sc_vector_subcore>, window_params = [{transform_indices = #map}, {transform_indices = #map1}, {transform_indices = #map}]} {
    %mul3A = arith.constant 2 : i32
    %mul3A_0 = arith.muli %arg1, %mul3A : i32
    %add3A = arith.addi %mul3A_0, %arg0 : i32
    %mul3A_1 = arith.constant 768 : i32
    %mul3A_2 = arith.muli %add3A, %mul3A_1 : i32
    "tpu.region"() ({
      %run_scoped3A = tpu.sem_alloc : memref<!tpu.dma_semaphore, #tpu.memory_space<semaphore_mem>>
      %dma_start3A_13 = tpu.memref_slice %arg3[%mul3A_2] : memref<24576xi32, #tpu.memory_space<hbm>> -> memref<768xi32, #tpu.memory_space<hbm>>
      %dma_start3A_14 = tpu.memref_slice %arg3[%mul3A_2] : memref<24576xi32, #tpu.memory_space<hbm>> -> memref<768xi32, #tpu.memory_space<hbm>>
      tpu.enqueue_dma source(%dma_start3A_14 : memref<768xi32, #tpu.memory_space<hbm>>) target(%arg5 : memref<768xi32, #tpu.memory_space<vmem>>) target_semaphore(%run_scoped3A : memref<!tpu.dma_semaphore, #tpu.memory_space<semaphore_mem>>)
      %dma_wait3A_15 = tpu.memref_slice %arg3[%mul3A_2] : memref<24576xi32, #tpu.memory_space<hbm>> -> memref<768xi32, #tpu.memory_space<hbm>>
      %dma_wait3A_16 = tpu.memref_slice %arg3[%mul3A_2] : memref<24576xi32, #tpu.memory_space<hbm>> -> memref<768xi32, #tpu.memory_space<hbm>>
      tpu.wait_dma2 semaphore(%run_scoped3A : memref<!tpu.dma_semaphore, #tpu.memory_space<semaphore_mem>>) src(%dma_wait3A_16 : memref<768xi32, #tpu.memory_space<hbm>>) dst(%arg5 : memref<768xi32, #tpu.memory_space<vmem>>)
      tpu.yield
    }) : () -> ()
    %dma_start3A = arith.constant 0 : i32
    %dma_start3A_3 = tpu.memref_slice %arg5[%dma_start3A] : memref<768xi32, #tpu.memory_space<vmem>> -> memref<768xi32, #tpu.memory_space<vmem>>
    %dma_start3A_4 = arith.constant 0 : i32
    %dma_start3A_5 = arith.constant 0 : i32
    %dma_start3A_6 = tpu.memref_slice %arg2[%dma_start3A_4, %dma_start3A_5] : memref<1024x128xf32, #tpu.memory_space<hbm>> -> memref<1024x128xf32, #tpu.memory_space<hbm>>
    tpu.enqueue_indirect_dma source(%dma_start3A_6 : memref<1024x128xf32, #tpu.memory_space<hbm>>) target(%arg6 : memref<768x128xf32, #tpu.memory_space<vmem>>) offsets(%dma_start3A_3 : memref<768xi32, #tpu.memory_space<vmem>>) semaphore(%arg7 : memref<!tpu.dma_semaphore, #tpu.memory_space<semaphore_mem>>)
    %dma_wait3A = arith.constant 0 : i32
    %dma_wait3A_7 = tpu.memref_slice %arg5[%dma_wait3A] : memref<768xi32, #tpu.memory_space<vmem>> -> memref<768xi32, #tpu.memory_space<vmem>>
    %dma_wait3A_8 = arith.constant 0 : i32
    %dma_wait3A_9 = arith.constant 0 : i32
    %dma_wait3A_10 = tpu.memref_slice %arg2[%dma_wait3A_8, %dma_wait3A_9] : memref<1024x128xf32, #tpu.memory_space<hbm>> -> memref<1024x128xf32, #tpu.memory_space<hbm>>
    tpu.wait_indirect_dma semaphore(%arg7 : memref<!tpu.dma_semaphore, #tpu.memory_space<semaphore_mem>>) src(%dma_wait3A_10 : memref<1024x128xf32, #tpu.memory_space<hbm>>) dst(%arg6 : memref<768x128xf32, #tpu.memory_space<vmem>>)
    %add3A_11 = arith.constant 0 : i32
    %add3A_12 = arith.addi %mul3A_2, %add3A_11 : i32
    "tpu.region"() ({
      %run_scoped3A = tpu.sem_alloc : memref<!tpu.dma_semaphore, #tpu.memory_space<semaphore_mem>>
      %dma_start3A_13 = arith.constant 0 : i32
      %dma_start3A_14 = tpu.memref_slice %arg4[%add3A_12, %dma_start3A_13] : memref<24576x128xf32, #tpu.memory_space<hbm>> -> memref<768x128xf32, #tpu.memory_space<hbm>>
      %dma_start3A_15 = arith.constant 0 : i32
      %dma_start3A_16 = tpu.memref_slice %arg4[%add3A_12, %dma_start3A_15] : memref<24576x128xf32, #tpu.memory_space<hbm>> -> memref<768x128xf32, #tpu.memory_space<hbm>>
      tpu.enqueue_dma source(%arg6 : memref<768x128xf32, #tpu.memory_space<vmem>>) target(%dma_start3A_16 : memref<768x128xf32, #tpu.memory_space<hbm>>) target_semaphore(%run_scoped3A : memref<!tpu.dma_semaphore, #tpu.memory_space<semaphore_mem>>)
      %dma_wait3A_17 = arith.constant 0 : i32
      %dma_wait3A_18 = tpu.memref_slice %arg4[%add3A_12, %dma_wait3A_17] : memref<24576x128xf32, #tpu.memory_space<hbm>> -> memref<768x128xf32, #tpu.memory_space<hbm>>
      %dma_wait3A_19 = arith.constant 0 : i32
      %dma_wait3A_20 = tpu.memref_slice %arg4[%add3A_12, %dma_wait3A_19] : memref<24576x128xf32, #tpu.memory_space<hbm>> -> memref<768x128xf32, #tpu.memory_space<hbm>>
      tpu.wait_dma2 semaphore(%run_scoped3A : memref<!tpu.dma_semaphore, #tpu.memory_space<semaphore_mem>>) src(%arg6 : memref<768x128xf32, #tpu.memory_space<vmem>>) dst(%dma_wait3A_20 : memref<768x128xf32, #tpu.memory_space<hbm>>)
      tpu.yield
    }) : () -> ()
    return
  }
}

#map = affine_map<(d0, d1) -> (0)>
#map1 = affine_map<(d0, d1) -> (0, 0)>
module attributes {stable_mosaic.version = 14 : i64} {
  func.func @gather(%arg0: i32, %arg1: i32, %arg2: memref<786432xf32, #tpu.memory_space<hbm>>, %arg3: memref<24576xi32, #tpu.memory_space<hbm>>, %arg4: memref<32x16xf32, #tpu.memory_space<hbm>>, %arg5: memref<768xi32, #tpu.memory_space<vmem>>, %arg6: memref<768xf32, #tpu.memory_space<vmem>>, %arg7: memref<16xf32, #tpu.memory_space<vmem>>, %arg8: memref<!tpu.dma_semaphore, #tpu.memory_space<semaphore_mem>>) attributes {dimension_semantics = [#tpu.dimension_semantics<core_parallel>, #tpu.dimension_semantics<subcore_parallel>], iteration_bounds = array<i64: 2, 16>, scalar_prefetch = 0 : i64, scratch_operands = 4 : i64, tpu.core_type = #tpu.core_type<sc_vector_subcore>, window_params = [{transform_indices = #map}, {transform_indices = #map}, {transform_indices = #map1}]} {
    %mul3A = arith.constant 2 : i32
    %mul3A_0 = arith.muli %arg1, %mul3A : i32
    %add3A = arith.addi %mul3A_0, %arg0 : i32
    %mul3A_1 = arith.constant 768 : i32
    %mul3A_2 = arith.muli %add3A, %mul3A_1 : i32
    "tpu.region"() ({
      %run_scoped3A = tpu.sem_alloc : memref<!tpu.dma_semaphore, #tpu.memory_space<semaphore_mem>>
      %dma_start3A_200 = tpu.memref_slice %arg3[%mul3A_2] : memref<24576xi32, #tpu.memory_space<hbm>> -> memref<768xi32, #tpu.memory_space<hbm>>
      %dma_start3A_201 = tpu.memref_slice %arg3[%mul3A_2] : memref<24576xi32, #tpu.memory_space<hbm>> -> memref<768xi32, #tpu.memory_space<hbm>>
      tpu.enqueue_dma source(%dma_start3A_201 : memref<768xi32, #tpu.memory_space<hbm>>) target(%arg5 : memref<768xi32, #tpu.memory_space<vmem>>) target_semaphore(%run_scoped3A : memref<!tpu.dma_semaphore, #tpu.memory_space<semaphore_mem>>)
      %dma_wait3A_202 = tpu.memref_slice %arg3[%mul3A_2] : memref<24576xi32, #tpu.memory_space<hbm>> -> memref<768xi32, #tpu.memory_space<hbm>>
      %dma_wait3A_203 = tpu.memref_slice %arg3[%mul3A_2] : memref<24576xi32, #tpu.memory_space<hbm>> -> memref<768xi32, #tpu.memory_space<hbm>>
      tpu.wait_dma2 semaphore(%run_scoped3A : memref<!tpu.dma_semaphore, #tpu.memory_space<semaphore_mem>>) src(%dma_wait3A_203 : memref<768xi32, #tpu.memory_space<hbm>>) dst(%arg5 : memref<768xi32, #tpu.memory_space<vmem>>)
      tpu.yield
    }) : () -> ()
    %dma_start3A = arith.constant 0 : i32
    %dma_start3A_3 = tpu.memref_slice %arg2[%dma_start3A] : memref<786432xf32, #tpu.memory_space<hbm>> -> memref<786432xf32, #tpu.memory_space<hbm>>
    tpu.enqueue_indirect_dma source(%dma_start3A_3 : memref<786432xf32, #tpu.memory_space<hbm>>) target(%arg6 : memref<768xf32, #tpu.memory_space<vmem>>) offsets(%arg5 : memref<768xi32, #tpu.memory_space<vmem>>) semaphore(%arg8 : memref<!tpu.dma_semaphore, #tpu.memory_space<semaphore_mem>>)
    %dma_wait3A = arith.constant 0 : i32
    %dma_wait3A_4 = tpu.memref_slice %arg2[%dma_wait3A] : memref<786432xf32, #tpu.memory_space<hbm>> -> memref<786432xf32, #tpu.memory_space<hbm>>
    tpu.wait_indirect_dma semaphore(%arg8 : memref<!tpu.dma_semaphore, #tpu.memory_space<semaphore_mem>>) src(%dma_wait3A_4 : memref<786432xf32, #tpu.memory_space<hbm>>) dst(%arg6 : memref<768xf32, #tpu.memory_space<vmem>>)
    %broadcast_in_dim3A = arith.constant 0.000000e+00 : f32
    %broadcast_in_dim3A_5 = vector.broadcast %broadcast_in_dim3A : f32 to vector<16xf32>
    %get3A = arith.constant 0 : index
    %get3A_6 = tpu.vector_load %arg6[%get3A] {strides = array<i32>} : memref<768xf32, #tpu.memory_space<vmem>>, vector<16xf32>,
    %get3A_7 = vector.shape_cast %get3A_6 : vector<16xf32> to vector<16xf32>
    %add3A_8 = arith.addf %broadcast_in_dim3A_5, %get3A_7 : vector<16xf32>
    %get3A_9 = arith.constant 16 : index
    %get3A_10 = tpu.vector_load %arg6[%get3A_9] {strides = array<i32>} : memref<768xf32, #tpu.memory_space<vmem>>, vector<16xf32>,
    %get3A_11 = vector.shape_cast %get3A_10 : vector<16xf32> to vector<16xf32>
    %add3A_12 = arith.addf %add3A_8, %get3A_11 : vector<16xf32>
    %get3A_13 = arith.constant 32 : index
    %get3A_14 = tpu.vector_load %arg6[%get3A_13] {strides = array<i32>} : memref<768xf32, #tpu.memory_space<vmem>>, vector<16xf32>,
    %get3A_15 = vector.shape_cast %get3A_14 : vector<16xf32> to vector<16xf32>
    %add3A_16 = arith.addf %add3A_12, %get3A_15 : vector<16xf32>
    %get3A_17 = arith.constant 48 : index
    %get3A_18 = tpu.vector_load %arg6[%get3A_17] {strides = array<i32>} : memref<768xf32, #tpu.memory_space<vmem>>, vector<16xf32>,
    %get3A_19 = vector.shape_cast %get3A_18 : vector<16xf32> to vector<16xf32>
    %add3A_20 = arith.addf %add3A_16, %get3A_19 : vector<16xf32>
    %get3A_21 = arith.constant 64 : index
    %get3A_22 = tpu.vector_load %arg6[%get3A_21] {strides = array<i32>} : memref<768xf32, #tpu.memory_space<vmem>>, vector<16xf32>,
    %get3A_23 = vector.shape_cast %get3A_22 : vector<16xf32> to vector<16xf32>
    %add3A_24 = arith.addf %add3A_20, %get3A_23 : vector<16xf32>
    %get3A_25 = arith.constant 80 : index
    %get3A_26 = tpu.vector_load %arg6[%get3A_25] {strides = array<i32>} : memref<768xf32, #tpu.memory_space<vmem>>, vector<16xf32>,
    %get3A_27 = vector.shape_cast %get3A_26 : vector<16xf32> to vector<16xf32>
    %add3A_28 = arith.addf %add3A_24, %get3A_27 : vector<16xf32>
    %get3A_29 = arith.constant 96 : index
    %get3A_30 = tpu.vector_load %arg6[%get3A_29] {strides = array<i32>} : memref<768xf32, #tpu.memory_space<vmem>>, vector<16xf32>,
    %get3A_31 = vector.shape_cast %get3A_30 : vector<16xf32> to vector<16xf32>
    %add3A_32 = arith.addf %add3A_28, %get3A_31 : vector<16xf32>
    %get3A_33 = arith.constant 112 : index
    %get3A_34 = tpu.vector_load %arg6[%get3A_33] {strides = array<i32>} : memref<768xf32, #tpu.memory_space<vmem>>, vector<16xf32>,
    %get3A_35 = vector.shape_cast %get3A_34 : vector<16xf32> to vector<16xf32>
    %add3A_36 = arith.addf %add3A_32, %get3A_35 : vector<16xf32>
    %get3A_37 = arith.constant 128 : index
    %get3A_38 = tpu.vector_load %arg6[%get3A_37] {strides = array<i32>} : memref<768xf32, #tpu.memory_space<vmem>>, vector<16xf32>,
    %get3A_39 = vector.shape_cast %get3A_38 : vector<16xf32> to vector<16xf32>
    %add3A_40 = arith.addf %add3A_36, %get3A_39 : vector<16xf32>
    %get3A_41 = arith.constant 144 : index
    %get3A_42 = tpu.vector_load %arg6[%get3A_41] {strides = array<i32>} : memref<768xf32, #tpu.memory_space<vmem>>, vector<16xf32>,
    %get3A_43 = vector.shape_cast %get3A_42 : vector<16xf32> to vector<16xf32>
    %add3A_44 = arith.addf %add3A_40, %get3A_43 : vector<16xf32>
    %get3A_45 = arith.constant 160 : index
    %get3A_46 = tpu.vector_load %arg6[%get3A_45] {strides = array<i32>} : memref<768xf32, #tpu.memory_space<vmem>>, vector<16xf32>,
    %get3A_47 = vector.shape_cast %get3A_46 : vector<16xf32> to vector<16xf32>
    %add3A_48 = arith.addf %add3A_44, %get3A_47 : vector<16xf32>
    %get3A_49 = arith.constant 176 : index
    %get3A_50 = tpu.vector_load %arg6[%get3A_49] {strides = array<i32>} : memref<768xf32, #tpu.memory_space<vmem>>, vector<16xf32>,
    %get3A_51 = vector.shape_cast %get3A_50 : vector<16xf32> to vector<16xf32>
    %add3A_52 = arith.addf %add3A_48, %get3A_51 : vector<16xf32>
    %get3A_53 = arith.constant 192 : index
    %get3A_54 = tpu.vector_load %arg6[%get3A_53] {strides = array<i32>} : memref<768xf32, #tpu.memory_space<vmem>>, vector<16xf32>,
    %get3A_55 = vector.shape_cast %get3A_54 : vector<16xf32> to vector<16xf32>
    %add3A_56 = arith.addf %add3A_52, %get3A_55 : vector<16xf32>
    %get3A_57 = arith.constant 208 : index
    %get3A_58 = tpu.vector_load %arg6[%get3A_57] {strides = array<i32>} : memref<768xf32, #tpu.memory_space<vmem>>, vector<16xf32>,
    %get3A_59 = vector.shape_cast %get3A_58 : vector<16xf32> to vector<16xf32>
    %add3A_60 = arith.addf %add3A_56, %get3A_59 : vector<16xf32>
    %get3A_61 = arith.constant 224 : index
    %get3A_62 = tpu.vector_load %arg6[%get3A_61] {strides = array<i32>} : memref<768xf32, #tpu.memory_space<vmem>>, vector<16xf32>,
    %get3A_63 = vector.shape_cast %get3A_62 : vector<16xf32> to vector<16xf32>
    %add3A_64 = arith.addf %add3A_60, %get3A_63 : vector<16xf32>
    %get3A_65 = arith.constant 240 : index
    %get3A_66 = tpu.vector_load %arg6[%get3A_65] {strides = array<i32>} : memref<768xf32, #tpu.memory_space<vmem>>, vector<16xf32>,
    %get3A_67 = vector.shape_cast %get3A_66 : vector<16xf32> to vector<16xf32>
    %add3A_68 = arith.addf %add3A_64, %get3A_67 : vector<16xf32>
    %get3A_69 = arith.constant 256 : index
    %get3A_70 = tpu.vector_load %arg6[%get3A_69] {strides = array<i32>} : memref<768xf32, #tpu.memory_space<vmem>>, vector<16xf32>,
    %get3A_71 = vector.shape_cast %get3A_70 : vector<16xf32> to vector<16xf32>
    %add3A_72 = arith.addf %add3A_68, %get3A_71 : vector<16xf32>
    %get3A_73 = arith.constant 272 : index
    %get3A_74 = tpu.vector_load %arg6[%get3A_73] {strides = array<i32>} : memref<768xf32, #tpu.memory_space<vmem>>, vector<16xf32>,
    %get3A_75 = vector.shape_cast %get3A_74 : vector<16xf32> to vector<16xf32>
    %add3A_76 = arith.addf %add3A_72, %get3A_75 : vector<16xf32>
    %get3A_77 = arith.constant 288 : index
    %get3A_78 = tpu.vector_load %arg6[%get3A_77] {strides = array<i32>} : memref<768xf32, #tpu.memory_space<vmem>>, vector<16xf32>,
    %get3A_79 = vector.shape_cast %get3A_78 : vector<16xf32> to vector<16xf32>
    %add3A_80 = arith.addf %add3A_76, %get3A_79 : vector<16xf32>
    %get3A_81 = arith.constant 304 : index
    %get3A_82 = tpu.vector_load %arg6[%get3A_81] {strides = array<i32>} : memref<768xf32, #tpu.memory_space<vmem>>, vector<16xf32>,
    %get3A_83 = vector.shape_cast %get3A_82 : vector<16xf32> to vector<16xf32>
    %add3A_84 = arith.addf %add3A_80, %get3A_83 : vector<16xf32>
    %get3A_85 = arith.constant 320 : index
    %get3A_86 = tpu.vector_load %arg6[%get3A_85] {strides = array<i32>} : memref<768xf32, #tpu.memory_space<vmem>>, vector<16xf32>,
    %get3A_87 = vector.shape_cast %get3A_86 : vector<16xf32> to vector<16xf32>
    %add3A_88 = arith.addf %add3A_84, %get3A_87 : vector<16xf32>
    %get3A_89 = arith.constant 336 : index
    %get3A_90 = tpu.vector_load %arg6[%get3A_89] {strides = array<i32>} : memref<768xf32, #tpu.memory_space<vmem>>, vector<16xf32>,
    %get3A_91 = vector.shape_cast %get3A_90 : vector<16xf32> to vector<16xf32>
    %add3A_92 = arith.addf %add3A_88, %get3A_91 : vector<16xf32>
    %get3A_93 = arith.constant 352 : index
    %get3A_94 = tpu.vector_load %arg6[%get3A_93] {strides = array<i32>} : memref<768xf32, #tpu.memory_space<vmem>>, vector<16xf32>,
    %get3A_95 = vector.shape_cast %get3A_94 : vector<16xf32> to vector<16xf32>
    %add3A_96 = arith.addf %add3A_92, %get3A_95 : vector<16xf32>
    %get3A_97 = arith.constant 368 : index
    %get3A_98 = tpu.vector_load %arg6[%get3A_97] {strides = array<i32>} : memref<768xf32, #tpu.memory_space<vmem>>, vector<16xf32>,
    %get3A_99 = vector.shape_cast %get3A_98 : vector<16xf32> to vector<16xf32>
    %add3A_100 = arith.addf %add3A_96, %get3A_99 : vector<16xf32>
    %get3A_101 = arith.constant 384 : index
    %get3A_102 = tpu.vector_load %arg6[%get3A_101] {strides = array<i32>} : memref<768xf32, #tpu.memory_space<vmem>>, vector<16xf32>,
    %get3A_103 = vector.shape_cast %get3A_102 : vector<16xf32> to vector<16xf32>
    %add3A_104 = arith.addf %add3A_100, %get3A_103 : vector<16xf32>
    %get3A_105 = arith.constant 400 : index
    %get3A_106 = tpu.vector_load %arg6[%get3A_105] {strides = array<i32>} : memref<768xf32, #tpu.memory_space<vmem>>, vector<16xf32>,
    %get3A_107 = vector.shape_cast %get3A_106 : vector<16xf32> to vector<16xf32>
    %add3A_108 = arith.addf %add3A_104, %get3A_107 : vector<16xf32>
    %get3A_109 = arith.constant 416 : index
    %get3A_110 = tpu.vector_load %arg6[%get3A_109] {strides = array<i32>} : memref<768xf32, #tpu.memory_space<vmem>>, vector<16xf32>,
    %get3A_111 = vector.shape_cast %get3A_110 : vector<16xf32> to vector<16xf32>
    %add3A_112 = arith.addf %add3A_108, %get3A_111 : vector<16xf32>
    %get3A_113 = arith.constant 432 : index
    %get3A_114 = tpu.vector_load %arg6[%get3A_113] {strides = array<i32>} : memref<768xf32, #tpu.memory_space<vmem>>, vector<16xf32>,
    %get3A_115 = vector.shape_cast %get3A_114 : vector<16xf32> to vector<16xf32>
    %add3A_116 = arith.addf %add3A_112, %get3A_115 : vector<16xf32>
    %get3A_117 = arith.constant 448 : index
    %get3A_118 = tpu.vector_load %arg6[%get3A_117] {strides = array<i32>} : memref<768xf32, #tpu.memory_space<vmem>>, vector<16xf32>,
    %get3A_119 = vector.shape_cast %get3A_118 : vector<16xf32> to vector<16xf32>
    %add3A_120 = arith.addf %add3A_116, %get3A_119 : vector<16xf32>
    %get3A_121 = arith.constant 464 : index
    %get3A_122 = tpu.vector_load %arg6[%get3A_121] {strides = array<i32>} : memref<768xf32, #tpu.memory_space<vmem>>, vector<16xf32>,
    %get3A_123 = vector.shape_cast %get3A_122 : vector<16xf32> to vector<16xf32>
    %add3A_124 = arith.addf %add3A_120, %get3A_123 : vector<16xf32>
    %get3A_125 = arith.constant 480 : index
    %get3A_126 = tpu.vector_load %arg6[%get3A_125] {strides = array<i32>} : memref<768xf32, #tpu.memory_space<vmem>>, vector<16xf32>,
    %get3A_127 = vector.shape_cast %get3A_126 : vector<16xf32> to vector<16xf32>
    %add3A_128 = arith.addf %add3A_124, %get3A_127 : vector<16xf32>
    %get3A_129 = arith.constant 496 : index
    %get3A_130 = tpu.vector_load %arg6[%get3A_129] {strides = array<i32>} : memref<768xf32, #tpu.memory_space<vmem>>, vector<16xf32>,
    %get3A_131 = vector.shape_cast %get3A_130 : vector<16xf32> to vector<16xf32>
    %add3A_132 = arith.addf %add3A_128, %get3A_131 : vector<16xf32>
    %get3A_133 = arith.constant 512 : index
    %get3A_134 = tpu.vector_load %arg6[%get3A_133] {strides = array<i32>} : memref<768xf32, #tpu.memory_space<vmem>>, vector<16xf32>,
    %get3A_135 = vector.shape_cast %get3A_134 : vector<16xf32> to vector<16xf32>
    %add3A_136 = arith.addf %add3A_132, %get3A_135 : vector<16xf32>
    %get3A_137 = arith.constant 528 : index
    %get3A_138 = tpu.vector_load %arg6[%get3A_137] {strides = array<i32>} : memref<768xf32, #tpu.memory_space<vmem>>, vector<16xf32>,
    %get3A_139 = vector.shape_cast %get3A_138 : vector<16xf32> to vector<16xf32>
    %add3A_140 = arith.addf %add3A_136, %get3A_139 : vector<16xf32>
    %get3A_141 = arith.constant 544 : index
    %get3A_142 = tpu.vector_load %arg6[%get3A_141] {strides = array<i32>} : memref<768xf32, #tpu.memory_space<vmem>>, vector<16xf32>,
    %get3A_143 = vector.shape_cast %get3A_142 : vector<16xf32> to vector<16xf32>
    %add3A_144 = arith.addf %add3A_140, %get3A_143 : vector<16xf32>
    %get3A_145 = arith.constant 560 : index
    %get3A_146 = tpu.vector_load %arg6[%get3A_145] {strides = array<i32>} : memref<768xf32, #tpu.memory_space<vmem>>, vector<16xf32>,
    %get3A_147 = vector.shape_cast %get3A_146 : vector<16xf32> to vector<16xf32>
    %add3A_148 = arith.addf %add3A_144, %get3A_147 : vector<16xf32>
    %get3A_149 = arith.constant 576 : index
    %get3A_150 = tpu.vector_load %arg6[%get3A_149] {strides = array<i32>} : memref<768xf32, #tpu.memory_space<vmem>>, vector<16xf32>,
    %get3A_151 = vector.shape_cast %get3A_150 : vector<16xf32> to vector<16xf32>
    %add3A_152 = arith.addf %add3A_148, %get3A_151 : vector<16xf32>
    %get3A_153 = arith.constant 592 : index
    %get3A_154 = tpu.vector_load %arg6[%get3A_153] {strides = array<i32>} : memref<768xf32, #tpu.memory_space<vmem>>, vector<16xf32>,
    %get3A_155 = vector.shape_cast %get3A_154 : vector<16xf32> to vector<16xf32>
    %add3A_156 = arith.addf %add3A_152, %get3A_155 : vector<16xf32>
    %get3A_157 = arith.constant 608 : index
    %get3A_158 = tpu.vector_load %arg6[%get3A_157] {strides = array<i32>} : memref<768xf32, #tpu.memory_space<vmem>>, vector<16xf32>,
    %get3A_159 = vector.shape_cast %get3A_158 : vector<16xf32> to vector<16xf32>
    %add3A_160 = arith.addf %add3A_156, %get3A_159 : vector<16xf32>
    %get3A_161 = arith.constant 624 : index
    %get3A_162 = tpu.vector_load %arg6[%get3A_161] {strides = array<i32>} : memref<768xf32, #tpu.memory_space<vmem>>, vector<16xf32>,
    %get3A_163 = vector.shape_cast %get3A_162 : vector<16xf32> to vector<16xf32>
    %add3A_164 = arith.addf %add3A_160, %get3A_163 : vector<16xf32>
    %get3A_165 = arith.constant 640 : index
    %get3A_166 = tpu.vector_load %arg6[%get3A_165] {strides = array<i32>} : memref<768xf32, #tpu.memory_space<vmem>>, vector<16xf32>,
    %get3A_167 = vector.shape_cast %get3A_166 : vector<16xf32> to vector<16xf32>
    %add3A_168 = arith.addf %add3A_164, %get3A_167 : vector<16xf32>
    %get3A_169 = arith.constant 656 : index
    %get3A_170 = tpu.vector_load %arg6[%get3A_169] {strides = array<i32>} : memref<768xf32, #tpu.memory_space<vmem>>, vector<16xf32>,
    %get3A_171 = vector.shape_cast %get3A_170 : vector<16xf32> to vector<16xf32>
    %add3A_172 = arith.addf %add3A_168, %get3A_171 : vector<16xf32>
    %get3A_173 = arith.constant 672 : index
    %get3A_174 = tpu.vector_load %arg6[%get3A_173] {strides = array<i32>} : memref<768xf32, #tpu.memory_space<vmem>>, vector<16xf32>,
    %get3A_175 = vector.shape_cast %get3A_174 : vector<16xf32> to vector<16xf32>
    %add3A_176 = arith.addf %add3A_172, %get3A_175 : vector<16xf32>
    %get3A_177 = arith.constant 688 : index
    %get3A_178 = tpu.vector_load %arg6[%get3A_177] {strides = array<i32>} : memref<768xf32, #tpu.memory_space<vmem>>, vector<16xf32>,
    %get3A_179 = vector.shape_cast %get3A_178 : vector<16xf32> to vector<16xf32>
    %add3A_180 = arith.addf %add3A_176, %get3A_179 : vector<16xf32>
    %get3A_181 = arith.constant 704 : index
    %get3A_182 = tpu.vector_load %arg6[%get3A_181] {strides = array<i32>} : memref<768xf32, #tpu.memory_space<vmem>>, vector<16xf32>,
    %get3A_183 = vector.shape_cast %get3A_182 : vector<16xf32> to vector<16xf32>
    %add3A_184 = arith.addf %add3A_180, %get3A_183 : vector<16xf32>
    %get3A_185 = arith.constant 720 : index
    %get3A_186 = tpu.vector_load %arg6[%get3A_185] {strides = array<i32>} : memref<768xf32, #tpu.memory_space<vmem>>, vector<16xf32>,
    %get3A_187 = vector.shape_cast %get3A_186 : vector<16xf32> to vector<16xf32>
    %add3A_188 = arith.addf %add3A_184, %get3A_187 : vector<16xf32>
    %get3A_189 = arith.constant 736 : index
    %get3A_190 = tpu.vector_load %arg6[%get3A_189] {strides = array<i32>} : memref<768xf32, #tpu.memory_space<vmem>>, vector<16xf32>,
    %get3A_191 = vector.shape_cast %get3A_190 : vector<16xf32> to vector<16xf32>
    %add3A_192 = arith.addf %add3A_188, %get3A_191 : vector<16xf32>
    %get3A_193 = arith.constant 752 : index
    %get3A_194 = tpu.vector_load %arg6[%get3A_193] {strides = array<i32>} : memref<768xf32, #tpu.memory_space<vmem>>, vector<16xf32>,
    %get3A_195 = vector.shape_cast %get3A_194 : vector<16xf32> to vector<16xf32>
    %add3A_196 = arith.addf %add3A_192, %get3A_195 : vector<16xf32>
    %swap3A = arith.constant 0 : index
    %swap3A_197 = tpu.vector_load %arg7[%swap3A] {strides = array<i32>} : memref<16xf32, #tpu.memory_space<vmem>>, vector<16xf32>,
    %swap3A_198 = vector.shape_cast %swap3A_197 : vector<16xf32> to vector<16xf32>
    %swap3A_199 = vector.shape_cast %add3A_196 : vector<16xf32> to vector<16xf32>
    tpu.vector_store %arg7[%swap3A], %swap3A_199 {strides = array<i32>} : memref<16xf32, #tpu.memory_space<vmem>>, vector<16xf32>,
    "tpu.region"() ({
      %run_scoped3A = tpu.sem_alloc : memref<!tpu.dma_semaphore, #tpu.memory_space<semaphore_mem>>
      %dma_start3A_200 = arith.constant 0 : i32
      %dma_start3A_201 = tpu.memref_slice %arg4[%add3A, %dma_start3A_200] : memref<32x16xf32, #tpu.memory_space<hbm>> -> memref<1x16xf32, #tpu.memory_space<hbm>>
      %dma_start3A_202 = tpu.memref_squeeze %dma_start3A_201 : memref<1x16xf32, #tpu.memory_space<hbm>> -> memref<16xf32, #tpu.memory_space<hbm>>
      %dma_start3A_203 = arith.constant 0 : i32
      %dma_start3A_204 = tpu.memref_slice %arg4[%add3A, %dma_start3A_203] : memref<32x16xf32, #tpu.memory_space<hbm>> -> memref<1x16xf32, #tpu.memory_space<hbm>>
      %dma_start3A_205 = tpu.memref_squeeze %dma_start3A_204 : memref<1x16xf32, #tpu.memory_space<hbm>> -> memref<16xf32, #tpu.memory_space<hbm>>
      tpu.enqueue_dma source(%arg7 : memref<16xf32, #tpu.memory_space<vmem>>) target(%dma_start3A_205 : memref<16xf32, #tpu.memory_space<hbm>>) target_semaphore(%run_scoped3A : memref<!tpu.dma_semaphore, #tpu.memory_space<semaphore_mem>>)
      %dma_wait3A_206 = arith.constant 0 : i32
      %dma_wait3A_207 = tpu.memref_slice %arg4[%add3A, %dma_wait3A_206] : memref<32x16xf32, #tpu.memory_space<hbm>> -> memref<1x16xf32, #tpu.memory_space<hbm>>
      %dma_wait3A_208 = tpu.memref_squeeze %dma_wait3A_207 : memref<1x16xf32, #tpu.memory_space<hbm>> -> memref<16xf32, #tpu.memory_space<hbm>>
      %dma_wait3A_209 = arith.constant 0 : i32
      %dma_wait3A_210 = tpu.memref_slice %arg4[%add3A, %dma_wait3A_209] : memref<32x16xf32, #tpu.memory_space<hbm>> -> memref<1x16xf32, #tpu.memory_space<hbm>>
      %dma_wait3A_211 = tpu.memref_squeeze %dma_wait3A_210 : memref<1x16xf32, #tpu.memory_space<hbm>> -> memref<16xf32, #tpu.memory_space<hbm>>
      tpu.wait_dma2 semaphore(%run_scoped3A : memref<!tpu.dma_semaphore, #tpu.memory_space<semaphore_mem>>) src(%arg7 : memref<16xf32, #tpu.memory_space<vmem>>) dst(%dma_wait3A_211 : memref<16xf32, #tpu.memory_space<hbm>>)
      tpu.yield
    }) : () -> ()
    return
  }
}

#map = affine_map<(d0, d1) -> (0, 0)>
#map1 = affine_map<(d0, d1) -> (0)>
module attributes {stable_mosaic.version = 14 : i64} {
  func.func @gather(%arg0: i32, %arg1: i32, %arg2: memref<1024x128xf32, #tpu.memory_space<hbm>>, %arg3: memref<24576xi32, #tpu.memory_space<hbm>>, %arg4: memref<24576x128xf32, #tpu.memory_space<hbm>>, %arg5: memref<768xi32, #tpu.memory_space<vmem>>, %arg6: memref<768x128xf32, #tpu.memory_space<vmem>>, %arg7: memref<!tpu.dma_semaphore, #tpu.memory_space<semaphore_mem>>) attributes {dimension_semantics = [#tpu.dimension_semantics<core_parallel>, #tpu.dimension_semantics<subcore_parallel>], iteration_bounds = array<i64: 2, 16>, scalar_prefetch = 0 : i64, scratch_operands = 3 : i64, tpu.core_type = #tpu.core_type<sc_vector_subcore>, window_params = [{transform_indices = #map}, {transform_indices = #map1}, {transform_indices = #map}]} {
    %mul3A = arith.constant 2 : i32
    %mul3A_0 = arith.muli %arg1, %mul3A : i32
    %add3A = arith.addi %mul3A_0, %arg0 : i32
    %mul3A_1 = arith.constant 768 : i32
    %mul3A_2 = arith.muli %add3A, %mul3A_1 : i32
    "tpu.region"() ({
      %run_scoped3A = tpu.sem_alloc : memref<!tpu.dma_semaphore, #tpu.memory_space<semaphore_mem>>
      %dma_start3A_13 = tpu.memref_slice %arg3[%mul3A_2] : memref<24576xi32, #tpu.memory_space<hbm>> -> memref<768xi32, #tpu.memory_space<hbm>>
      %dma_start3A_14 = tpu.memref_slice %arg3[%mul3A_2] : memref<24576xi32, #tpu.memory_space<hbm>> -> memref<768xi32, #tpu.memory_space<hbm>>
      tpu.enqueue_dma source(%dma_start3A_14 : memref<768xi32, #tpu.memory_space<hbm>>) target(%arg5 : memref<768xi32, #tpu.memory_space<vmem>>) target_semaphore(%run_scoped3A : memref<!tpu.dma_semaphore, #tpu.memory_space<semaphore_mem>>)
      %dma_wait3A_15 = tpu.memref_slice %arg3[%mul3A_2] : memref<24576xi32, #tpu.memory_space<hbm>> -> memref<768xi32, #tpu.memory_space<hbm>>
      %dma_wait3A_16 = tpu.memref_slice %arg3[%mul3A_2] : memref<24576xi32, #tpu.memory_space<hbm>> -> memref<768xi32, #tpu.memory_space<hbm>>
      tpu.wait_dma2 semaphore(%run_scoped3A : memref<!tpu.dma_semaphore, #tpu.memory_space<semaphore_mem>>) src(%dma_wait3A_16 : memref<768xi32, #tpu.memory_space<hbm>>) dst(%arg5 : memref<768xi32, #tpu.memory_space<vmem>>)
      tpu.yield
    }) : () -> ()
    %dma_start3A = arith.constant 0 : i32
    %dma_start3A_3 = tpu.memref_slice %arg5[%dma_start3A] : memref<768xi32, #tpu.memory_space<vmem>> -> memref<768xi32, #tpu.memory_space<vmem>>
    %dma_start3A_4 = arith.constant 0 : i32
    %dma_start3A_5 = arith.constant 0 : i32
    %dma_start3A_6 = tpu.memref_slice %arg2[%dma_start3A_4, %dma_start3A_5] : memref<1024x128xf32, #tpu.memory_space<hbm>> -> memref<1024x128xf32, #tpu.memory_space<hbm>>
    tpu.enqueue_indirect_dma source(%dma_start3A_6 : memref<1024x128xf32, #tpu.memory_space<hbm>>) target(%arg6 : memref<768x128xf32, #tpu.memory_space<vmem>>) offsets(%dma_start3A_3 : memref<768xi32, #tpu.memory_space<vmem>>) semaphore(%arg7 : memref<!tpu.dma_semaphore, #tpu.memory_space<semaphore_mem>>)
    %dma_wait3A = arith.constant 0 : i32
    %dma_wait3A_7 = tpu.memref_slice %arg5[%dma_wait3A] : memref<768xi32, #tpu.memory_space<vmem>> -> memref<768xi32, #tpu.memory_space<vmem>>
    %dma_wait3A_8 = arith.constant 0 : i32
    %dma_wait3A_9 = arith.constant 0 : i32
    %dma_wait3A_10 = tpu.memref_slice %arg2[%dma_wait3A_8, %dma_wait3A_9] : memref<1024x128xf32, #tpu.memory_space<hbm>> -> memref<1024x128xf32, #tpu.memory_space<hbm>>
    tpu.wait_indirect_dma semaphore(%arg7 : memref<!tpu.dma_semaphore, #tpu.memory_space<semaphore_mem>>) src(%dma_wait3A_10 : memref<1024x128xf32, #tpu.memory_space<hbm>>) dst(%arg6 : memref<768x128xf32, #tpu.memory_space<vmem>>)
    %add3A_11 = arith.constant 0 : i32
    %add3A_12 = arith.addi %mul3A_2, %add3A_11 : i32
    "tpu.region"() ({
      %run_scoped3A = tpu.sem_alloc : memref<!tpu.dma_semaphore, #tpu.memory_space<semaphore_mem>>
      %dma_start3A_13 = arith.constant 0 : i32
      %dma_start3A_14 = tpu.memref_slice %arg4[%add3A_12, %dma_start3A_13] : memref<24576x128xf32, #tpu.memory_space<hbm>> -> memref<768x128xf32, #tpu.memory_space<hbm>>
      %dma_start3A_15 = arith.constant 0 : i32
      %dma_start3A_16 = tpu.memref_slice %arg4[%add3A_12, %dma_start3A_15] : memref<24576x128xf32, #tpu.memory_space<hbm>> -> memref<768x128xf32, #tpu.memory_space<hbm>>
      tpu.enqueue_dma source(%arg6 : memref<768x128xf32, #tpu.memory_space<vmem>>) target(%dma_start3A_16 : memref<768x128xf32, #tpu.memory_space<hbm>>) target_semaphore(%run_scoped3A : memref<!tpu.dma_semaphore, #tpu.memory_space<semaphore_mem>>)
      %dma_wait3A_17 = arith.constant 0 : i32
      %dma_wait3A_18 = tpu.memref_slice %arg4[%add3A_12, %dma_wait3A_17] : memref<24576x128xf32, #tpu.memory_space<hbm>> -> memref<768x128xf32, #tpu.memory_space<hbm>>
      %dma_wait3A_19 = arith.constant 0 : i32
      %dma_wait3A_20 = tpu.memref_slice %arg4[%add3A_12, %dma_wait3A_19] : memref<24576x128xf32, #tpu.memory_space<hbm>> -> memref<768x128xf32, #tpu.memory_space<hbm>>
      tpu.wait_dma2 semaphore(%run_scoped3A : memref<!tpu.dma_semaphore, #tpu.memory_space<semaphore_mem>>) src(%arg6 : memref<768x128xf32, #tpu.memory_space<vmem>>) dst(%dma_wait3A_20 : memref<768x128xf32, #tpu.memory_space<hbm>>)
      tpu.yield
    }) : () -> ()
    return
  }
}

#map = affine_map<(d0, d1) -> (0, 0)>
#map1 = affine_map<(d0, d1) -> (0)>
module attributes {stable_mosaic.version = 14 : i64} {
  func.func @gather(%arg0: i32, %arg1: i32, %arg2: memref<1024x128xf32, #tpu.memory_space<hbm>>, %arg3: memref<24576xi32, #tpu.memory_space<hbm>>, %arg4: memref<24576x128xf32, #tpu.memory_space<hbm>>, %arg5: memref<768xi32, #tpu.memory_space<vmem>>, %arg6: memref<768x128xf32, #tpu.memory_space<vmem>>, %arg7: memref<!tpu.dma_semaphore, #tpu.memory_space<semaphore_mem>>) attributes {dimension_semantics = [#tpu.dimension_semantics<core_parallel>, #tpu.dimension_semantics<subcore_parallel>], iteration_bounds = array<i64: 2, 16>, scalar_prefetch = 0 : i64, scratch_operands = 3 : i64, tpu.core_type = #tpu.core_type<sc_vector_subcore>, window_params = [{transform_indices = #map}, {transform_indices = #map1}, {transform_indices = #map}]} {
    %mul3A = arith.constant 2 : i32
    %mul3A_0 = arith.muli %arg1, %mul3A : i32
    %add3A = arith.addi %mul3A_0, %arg0 : i32
    %mul3A_1 = arith.constant 768 : i32
    %mul3A_2 = arith.muli %add3A, %mul3A_1 : i32
    "tpu.region"() ({
      %run_scoped3A = tpu.sem_alloc : memref<!tpu.dma_semaphore, #tpu.memory_space<semaphore_mem>>
      %dma_start3A_13 = tpu.memref_slice %arg3[%mul3A_2] : memref<24576xi32, #tpu.memory_space<hbm>> -> memref<768xi32, #tpu.memory_space<hbm>>
      %dma_start3A_14 = tpu.memref_slice %arg3[%mul3A_2] : memref<24576xi32, #tpu.memory_space<hbm>> -> memref<768xi32, #tpu.memory_space<hbm>>
      tpu.enqueue_dma source(%dma_start3A_14 : memref<768xi32, #tpu.memory_space<hbm>>) target(%arg5 : memref<768xi32, #tpu.memory_space<vmem>>) target_semaphore(%run_scoped3A : memref<!tpu.dma_semaphore, #tpu.memory_space<semaphore_mem>>)
      %dma_wait3A_15 = tpu.memref_slice %arg3[%mul3A_2] : memref<24576xi32, #tpu.memory_space<hbm>> -> memref<768xi32, #tpu.memory_space<hbm>>
      %dma_wait3A_16 = tpu.memref_slice %arg3[%mul3A_2] : memref<24576xi32, #tpu.memory_space<hbm>> -> memref<768xi32, #tpu.memory_space<hbm>>
      tpu.wait_dma2 semaphore(%run_scoped3A : memref<!tpu.dma_semaphore, #tpu.memory_space<semaphore_mem>>) src(%dma_wait3A_16 : memref<768xi32, #tpu.memory_space<hbm>>) dst(%arg5 : memref<768xi32, #tpu.memory_space<vmem>>)
      tpu.yield
    }) : () -> ()
    %dma_start3A = arith.constant 0 : i32
    %dma_start3A_3 = tpu.memref_slice %arg5[%dma_start3A] : memref<768xi32, #tpu.memory_space<vmem>> -> memref<768xi32, #tpu.memory_space<vmem>>
    %dma_start3A_4 = arith.constant 0 : i32
    %dma_start3A_5 = arith.constant 0 : i32
    %dma_start3A_6 = tpu.memref_slice %arg2[%dma_start3A_4, %dma_start3A_5] : memref<1024x128xf32, #tpu.memory_space<hbm>> -> memref<1024x128xf32, #tpu.memory_space<hbm>>
    tpu.enqueue_indirect_dma source(%dma_start3A_6 : memref<1024x128xf32, #tpu.memory_space<hbm>>) target(%arg6 : memref<768x128xf32, #tpu.memory_space<vmem>>) offsets(%dma_start3A_3 : memref<768xi32, #tpu.memory_space<vmem>>) semaphore(%arg7 : memref<!tpu.dma_semaphore, #tpu.memory_space<semaphore_mem>>)
    %dma_wait3A = arith.constant 0 : i32
    %dma_wait3A_7 = tpu.memref_slice %arg5[%dma_wait3A] : memref<768xi32, #tpu.memory_space<vmem>> -> memref<768xi32, #tpu.memory_space<vmem>>
    %dma_wait3A_8 = arith.constant 0 : i32
    %dma_wait3A_9 = arith.constant 0 : i32
    %dma_wait3A_10 = tpu.memref_slice %arg2[%dma_wait3A_8, %dma_wait3A_9] : memref<1024x128xf32, #tpu.memory_space<hbm>> -> memref<1024x128xf32, #tpu.memory_space<hbm>>
    tpu.wait_indirect_dma semaphore(%arg7 : memref<!tpu.dma_semaphore, #tpu.memory_space<semaphore_mem>>) src(%dma_wait3A_10 : memref<1024x128xf32, #tpu.memory_space<hbm>>) dst(%arg6 : memref<768x128xf32, #tpu.memory_space<vmem>>)
    %add3A_11 = arith.constant 0 : i32
    %add3A_12 = arith.addi %mul3A_2, %add3A_11 : i32
    "tpu.region"() ({
      %run_scoped3A = tpu.sem_alloc : memref<!tpu.dma_semaphore, #tpu.memory_space<semaphore_mem>>
      %dma_start3A_13 = arith.constant 0 : i32
      %dma_start3A_14 = tpu.memref_slice %arg4[%add3A_12, %dma_start3A_13] : memref<24576x128xf32, #tpu.memory_space<hbm>> -> memref<768x128xf32, #tpu.memory_space<hbm>>
      %dma_start3A_15 = arith.constant 0 : i32
      %dma_start3A_16 = tpu.memref_slice %arg4[%add3A_12, %dma_start3A_15] : memref<24576x128xf32, #tpu.memory_space<hbm>> -> memref<768x128xf32, #tpu.memory_space<hbm>>
      tpu.enqueue_dma source(%arg6 : memref<768x128xf32, #tpu.memory_space<vmem>>) target(%dma_start3A_16 : memref<768x128xf32, #tpu.memory_space<hbm>>) target_semaphore(%run_scoped3A : memref<!tpu.dma_semaphore, #tpu.memory_space<semaphore_mem>>)
      %dma_wait3A_17 = arith.constant 0 : i32
      %dma_wait3A_18 = tpu.memref_slice %arg4[%add3A_12, %dma_wait3A_17] : memref<24576x128xf32, #tpu.memory_space<hbm>> -> memref<768x128xf32, #tpu.memory_space<hbm>>
      %dma_wait3A_19 = arith.constant 0 : i32
      %dma_wait3A_20 = tpu.memref_slice %arg4[%add3A_12, %dma_wait3A_19] : memref<24576x128xf32, #tpu.memory_space<hbm>> -> memref<768x128xf32, #tpu.memory_space<hbm>>
      tpu.wait_dma2 semaphore(%run_scoped3A : memref<!tpu.dma_semaphore, #tpu.memory_space<semaphore_mem>>) src(%arg6 : memref<768x128xf32, #tpu.memory_space<vmem>>) dst(%dma_wait3A_20 : memref<768x128xf32, #tpu.memory_space<hbm>>)
      tpu.yield
    }) : () -> ()
    return
  }
}

module attributes {stable_mosaic.version = 14 : i64} {
  func.func @_encoder_vq_body(%arg0: i32, %arg1: memref<16x96x512xf32, #tpu.memory_space<vmem>>, %arg2: memref<512x1536xbf16, #tpu.memory_space<vmem>>, %arg3: memref<1x512xf32, #tpu.memory_space<vmem>>, %arg4: memref<512x1536xbf16, #tpu.memory_space<vmem>>, %arg5: memref<1x512xf32, #tpu.memory_space<vmem>>, %arg6: memref<512x256xf32, #tpu.memory_space<vmem>>, %arg7: memref<1x256xf32, #tpu.memory_space<vmem>>, %arg8: memref<256x1024xf32, #tpu.memory_space<vmem>>, %arg9: memref<1024x256xf32, #tpu.memory_space<vmem>>, %arg10: memref<16x8x256xf32, #tpu.memory_space<vmem>>, %arg11: memref<16x8x256xf32, #tpu.memory_space<vmem>>) attributes {dimension_semantics = [#tpu.dimension_semantics<arbitrary>], iteration_bounds = array<i64: 4>, scalar_prefetch = 0 : i64, scratch_operands = 0 : i64, tpu.core_type = #tpu.core_type<tc>, window_params = [{transform_indices = @transform_0, window_bounds = array<i64: 16, 96, 512>}, {pipeline_mode = #tpu.pipeline_mode<synchronous>, transform_indices = @transform_1, window_bounds = array<i64: 512, 1536>}, {pipeline_mode = #tpu.pipeline_mode<synchronous>, transform_indices = @transform_2, window_bounds = array<i64: 1, 512>}, {pipeline_mode = #tpu.pipeline_mode<synchronous>, transform_indices = @transform_3, window_bounds = array<i64: 512, 1536>}, {pipeline_mode = #tpu.pipeline_mode<synchronous>, transform_indices = @transform_4, window_bounds = array<i64: 1, 512>}, {pipeline_mode = #tpu.pipeline_mode<synchronous>, transform_indices = @transform_5, window_bounds = array<i64: 512, 256>}, {pipeline_mode = #tpu.pipeline_mode<synchronous>, transform_indices = @transform_6, window_bounds = array<i64: 1, 256>}, {pipeline_mode = #tpu.pipeline_mode<synchronous>, transform_indices = @transform_7, window_bounds = array<i64: 256, 1024>}, {pipeline_mode = #tpu.pipeline_mode<synchronous>, transform_indices = @transform_8, window_bounds = array<i64: 1024, 256>}, {transform_indices = @transform_9, window_bounds = array<i64: 16, 8, 256>}, {transform_indices = @transform_10, window_bounds = array<i64: 16, 8, 256>}]} {
    %get3A = arith.constant 0 : index
    %get3A_0 = arith.constant 0 : index
    %get3A_1 = arith.constant 0 : index
    %get3A_2 = vector.load %arg1[%get3A, %get3A_0, %get3A_1] : memref<16x96x512xf32, #tpu.memory_space<vmem>>, vector<16x96x512xf32>
    %reshape3A = vector.shape_cast %get3A_2 : vector<16x96x512xf32> to vector<1536x512xf32>
    %convert_element_type3A = arith.truncf %reshape3A : vector<1536x512xf32> to vector<1536x512xbf16>
    %get3A_3 = arith.constant 0 : index
    %get3A_4 = arith.constant 0 : index
    %get3A_5 = vector.load %arg2[%get3A_3, %get3A_4] : memref<512x1536xbf16, #tpu.memory_space<vmem>>, vector<512x1536xbf16>
    %dot_general3A = arith.constant dense<0.000000e+00> : vector<1536x1536xf32>
    %dot_general3A_6 = tpu.matmul %convert_element_type3A, %get3A_5, %dot_general3A {dimension_numbers = #tpu.dot_dimension_numbers<[1], [0], [0], [1], [0, 0, 1, 1], [], []>, transpose_lhs_hint = false} : vector<1536x512xbf16>, vector<512x1536xbf16>, vector<1536x1536xf32> -> vector<1536x1536xf32>
    %reshape3A_7 = vector.shape_cast %dot_general3A_6 : vector<1536x1536xf32> to vector<16x96x1536xf32>
    %slice3A = vector.extract_strided_slice %reshape3A_7 {offsets = [0, 0, 0], sizes = [16, 96, 512], strides = [1, 1, 1]} : vector<16x96x1536xf32> to vector<16x96x512xf32>
    %slice3A_8 = vector.extract_strided_slice %reshape3A_7 {offsets = [0, 0, 512], sizes = [16, 96, 512], strides = [1, 1, 1]} : vector<16x96x1536xf32> to vector<16x96x512xf32>
    %slice3A_9 = vector.extract_strided_slice %reshape3A_7 {offsets = [0, 0, 1024], sizes = [16, 96, 512], strides = [1, 1, 1]} : vector<16x96x1536xf32> to vector<16x96x512xf32>
    %broadcast_in_dim3A = arith.constant 0.000000e+00 : f32
    %broadcast_in_dim3A_10 = vector.broadcast %broadcast_in_dim3A : f32 to vector<16x1x512xf32>
    %slice3A_11 = vector.extract_strided_slice %slice3A {offsets = [0, 0, 0], sizes = [16, 95, 512], strides = [1, 1, 1]} : vector<16x96x512xf32> to vector<16x95x512xf32>
    %concatenate3A = tpu.concatenate %broadcast_in_dim3A_10, %slice3A_11 in 1 : vector<16x1x512xf32>, vector<16x95x512xf32> -> vector<16x96x512xf32>
    %add3A = arith.addf %slice3A_8, %concatenate3A : vector<16x96x512xf32>
    %slice3A_12 = vector.extract_strided_slice %slice3A_9 {offsets = [0, 1, 0], sizes = [16, 95, 512], strides = [1, 1, 1]} : vector<16x96x512xf32> to vector<16x95x512xf32>
    %concatenate3A_13 = tpu.concatenate %slice3A_12, %broadcast_in_dim3A_10 in 1 : vector<16x95x512xf32>, vector<16x1x512xf32> -> vector<16x96x512xf32>
    %add3A_14 = arith.addf %add3A, %concatenate3A_13 : vector<16x96x512xf32>
    %get3A_15 = arith.constant 0 : index
    %get3A_16 = arith.constant 0 : index
    %get3A_17 = vector.load %arg3[%get3A_15, %get3A_16] : memref<1x512xf32, #tpu.memory_space<vmem>>, vector<1x512xf32>
    %reshape3A_18 = vector.shape_cast %get3A_17 : vector<1x512xf32> to vector<1x1x512xf32>
    %add3A_19 = vector.broadcast %reshape3A_18 : vector<1x1x512xf32> to vector<16x96x512xf32>
    %add3A_20 = arith.addf %add3A_14, %add3A_19 : vector<16x96x512xf32>
    %max3A = arith.constant 0.000000e+00 : f32
    %max3A_21 = vector.broadcast %max3A : f32 to vector<16x96x512xf32>
    %max3A_22 = arith.maximumf %add3A_20, %max3A_21 : vector<16x96x512xf32>
    %reshape3A_23 = vector.shape_cast %max3A_22 : vector<16x96x512xf32> to vector<1536x512xf32>
    %convert_element_type3A_24 = arith.truncf %reshape3A_23 : vector<1536x512xf32> to vector<1536x512xbf16>
    %get3A_25 = arith.constant 0 : index
    %get3A_26 = arith.constant 0 : index
    %get3A_27 = vector.load %arg4[%get3A_25, %get3A_26] : memref<512x1536xbf16, #tpu.memory_space<vmem>>, vector<512x1536xbf16>
    %dot_general3A_28 = arith.constant dense<0.000000e+00> : vector<1536x1536xf32>
    %dot_general3A_29 = tpu.matmul %convert_element_type3A_24, %get3A_27, %dot_general3A_28 {dimension_numbers = #tpu.dot_dimension_numbers<[1], [0], [0], [1], [0, 0, 1, 1], [], []>, transpose_lhs_hint = false} : vector<1536x512xbf16>, vector<512x1536xbf16>, vector<1536x1536xf32> -> vector<1536x1536xf32>
    %reshape3A_30 = vector.shape_cast %dot_general3A_29 : vector<1536x1536xf32> to vector<16x96x1536xf32>
    %slice3A_31 = vector.extract_strided_slice %reshape3A_30 {offsets = [0, 0, 0], sizes = [16, 96, 512], strides = [1, 1, 1]} : vector<16x96x1536xf32> to vector<16x96x512xf32>
    %slice3A_32 = vector.extract_strided_slice %reshape3A_30 {offsets = [0, 0, 512], sizes = [16, 96, 512], strides = [1, 1, 1]} : vector<16x96x1536xf32> to vector<16x96x512xf32>
    %slice3A_33 = vector.extract_strided_slice %reshape3A_30 {offsets = [0, 0, 1024], sizes = [16, 96, 512], strides = [1, 1, 1]} : vector<16x96x1536xf32> to vector<16x96x512xf32>
    %broadcast_in_dim3A_34 = arith.constant 0.000000e+00 : f32
    %broadcast_in_dim3A_35 = vector.broadcast %broadcast_in_dim3A_34 : f32 to vector<16x1x512xf32>
    %slice3A_36 = vector.extract_strided_slice %slice3A_31 {offsets = [0, 0, 0], sizes = [16, 95, 512], strides = [1, 1, 1]} : vector<16x96x512xf32> to vector<16x95x512xf32>
    %concatenate3A_37 = tpu.concatenate %broadcast_in_dim3A_35, %slice3A_36 in 1 : vector<16x1x512xf32>, vector<16x95x512xf32> -> vector<16x96x512xf32>
    %add3A_38 = arith.addf %slice3A_32, %concatenate3A_37 : vector<16x96x512xf32>
    %slice3A_39 = vector.extract_strided_slice %slice3A_33 {offsets = [0, 1, 0], sizes = [16, 95, 512], strides = [1, 1, 1]} : vector<16x96x512xf32> to vector<16x95x512xf32>
    %concatenate3A_40 = tpu.concatenate %slice3A_39, %broadcast_in_dim3A_35 in 1 : vector<16x95x512xf32>, vector<16x1x512xf32> -> vector<16x96x512xf32>
    %add3A_41 = arith.addf %add3A_38, %concatenate3A_40 : vector<16x96x512xf32>
    %get3A_42 = arith.constant 0 : index
    %get3A_43 = arith.constant 0 : index
    %get3A_44 = vector.load %arg5[%get3A_42, %get3A_43] : memref<1x512xf32, #tpu.memory_space<vmem>>, vector<1x512xf32>
    %reshape3A_45 = vector.shape_cast %get3A_44 : vector<1x512xf32> to vector<1x1x512xf32>
    %add3A_46 = vector.broadcast %reshape3A_45 : vector<1x1x512xf32> to vector<16x96x512xf32>
    %add3A_47 = arith.addf %add3A_41, %add3A_46 : vector<16x96x512xf32>
    %max3A_48 = arith.constant 0.000000e+00 : f32
    %max3A_49 = vector.broadcast %max3A_48 : f32 to vector<16x96x512xf32>
    %max3A_50 = arith.maximumf %add3A_47, %max3A_49 : vector<16x96x512xf32>
    %reshape3A_51 = vector.shape_cast %max3A_50 : vector<16x96x512xf32> to vector<16x8x12x512xf32>
    %reduce_sum3A = arith.constant dense<0.000000e+00> : vector<16x8x512xf32>
    %reduce_sum3A_52 = vector.multi_reduction <add>, %reshape3A_51, %reduce_sum3A [2] : vector<16x8x12x512xf32> to vector<16x8x512xf32>
    %div3A = arith.constant 1.200000e+01 : f32
    %div3A_53 = vector.broadcast %div3A : f32 to vector<16x8x512xf32>
    %div3A_54 = arith.divf %reduce_sum3A_52, %div3A_53 : vector<16x8x512xf32>
    %reshape3A_55 = vector.shape_cast %div3A_54 : vector<16x8x512xf32> to vector<128x512xf32>
    %get3A_56 = arith.constant 0 : index
    %get3A_57 = arith.constant 0 : index
    %get3A_58 = vector.load %arg6[%get3A_56, %get3A_57] : memref<512x256xf32, #tpu.memory_space<vmem>>, vector<512x256xf32>
    %dot_general3A_59 = arith.constant dense<0.000000e+00> : vector<128x256xf32>
    %dot_general3A_60 = tpu.matmul %reshape3A_55, %get3A_58, %dot_general3A_59 {dimension_numbers = #tpu.dot_dimension_numbers<[1], [0], [0], [1], [0, 0, 1, 1], [], []>, transpose_lhs_hint = false} : vector<128x512xf32>, vector<512x256xf32>, vector<128x256xf32> -> vector<128x256xf32>
    %get3A_61 = arith.constant 0 : index
    %get3A_62 = arith.constant 0 : index
    %get3A_63 = vector.load %arg7[%get3A_61, %get3A_62] : memref<1x256xf32, #tpu.memory_space<vmem>>, vector<1x256xf32>
    %add3A_64 = vector.broadcast %get3A_63 : vector<1x256xf32> to vector<128x256xf32>
    %add3A_65 = arith.addf %dot_general3A_60, %add3A_64 : vector<128x256xf32>
    %get3A_66 = arith.constant 0 : index
    %get3A_67 = arith.constant 0 : index
    %get3A_68 = vector.load %arg8[%get3A_66, %get3A_67] : memref<256x1024xf32, #tpu.memory_space<vmem>>, vector<256x1024xf32>
    %mul3A = arith.mulf %get3A_68, %get3A_68 : vector<256x1024xf32>
    %reduce_sum3A_69 = arith.constant dense<0.000000e+00> : vector<1024xf32>
    %reduce_sum3A_70 = vector.multi_reduction <add>, %mul3A, %reduce_sum3A_69 [0] : vector<256x1024xf32> to vector<1024xf32>
    %reshape3A_71 = vector.shape_cast %reduce_sum3A_70 : vector<1024xf32> to vector<1x1024xf32>
    %dot_general3A_72 = arith.constant dense<0.000000e+00> : vector<128x1024xf32>
    %dot_general3A_73 = tpu.matmul %add3A_65, %get3A_68, %dot_general3A_72 {dimension_numbers = #tpu.dot_dimension_numbers<[1], [0], [0], [1], [0, 0, 1, 1], [], []>, transpose_lhs_hint = false} : vector<128x256xf32>, vector<256x1024xf32>, vector<128x1024xf32> -> vector<128x1024xf32>
    %mul3A_74 = arith.mulf %add3A_65, %add3A_65 : vector<128x256xf32>
    %reduce_sum3A_75 = arith.constant dense<0.000000e+00> : vector<128xf32>
    %reduce_sum3A_76 = vector.multi_reduction <add>, %mul3A_74, %reduce_sum3A_75 [1] : vector<128x256xf32> to vector<128xf32>
    %broadcast_in_dim3A_77 = vector.shape_cast %reduce_sum3A_76 : vector<128xf32> to vector<128x1xf32>
    %mul3A_78 = arith.constant 2.000000e+00 : f32
    %mul3A_79 = vector.broadcast %mul3A_78 : f32 to vector<128x1024xf32>
    %mul3A_80 = arith.mulf %mul3A_79, %dot_general3A_73 : vector<128x1024xf32>
    %sub3A = vector.broadcast %broadcast_in_dim3A_77 : vector<128x1xf32> to vector<128x1024xf32>
    %sub3A_81 = arith.subf %sub3A, %mul3A_80 : vector<128x1024xf32>
    %add3A_82 = vector.broadcast %reshape3A_71 : vector<1x1024xf32> to vector<128x1024xf32>
    %add3A_83 = arith.addf %sub3A_81, %add3A_82 : vector<128x1024xf32>
    %reduce_min3A = arith.constant dense<0x7F800000> : vector<128xf32>
    %reduce_min3A_84 = vector.multi_reduction <minimumf>, %add3A_83, %reduce_min3A [1] : vector<128x1024xf32> to vector<128xf32>
    %broadcast_in_dim3A_85 = vector.shape_cast %reduce_min3A_84 : vector<128xf32> to vector<128x1xf32>
    %iota3A = tpu.iota {dimensions = array<i32: 1>} : vector<128x1024xi32>
    %le3A = vector.broadcast %broadcast_in_dim3A_85 : vector<128x1xf32> to vector<128x1024xf32>
    %le3A_86 = arith.cmpf ole, %add3A_83, %le3A : vector<128x1024xf32>
    %jit3A = arith.constant 1024 : i32
    %broadcast_in_dim3A_87 = vector.broadcast %jit3A : i32 to vector<128x1024xi32>
    %select_n3A = arith.select %le3A_86, %iota3A, %broadcast_in_dim3A_87 : vector<128x1024xi1>, vector<128x1024xi32>
    %reduce_min3A_88 = arith.constant dense<2147483647> : vector<128xi32>
    %reduce_min3A_89 = vector.multi_reduction <minsi>, %select_n3A, %reduce_min3A_88 [1] : vector<128x1024xi32> to vector<128xi32>
    %broadcast_in_dim3A_90 = vector.shape_cast %reduce_min3A_89 : vector<128xi32> to vector<128x1xi32>
    %eq3A = vector.broadcast %broadcast_in_dim3A_90 : vector<128x1xi32> to vector<128x1024xi32>
    %eq3A_91 = arith.cmpi eq, %iota3A, %eq3A : vector<128x1024xi32>
    %convert_element_type3A_92 = arith.extui %eq3A_91 : vector<128x1024xi1> to vector<128x1024xi32>
    %convert_element_type3A_93 = arith.sitofp %convert_element_type3A_92 : vector<128x1024xi32> to vector<128x1024xf32>
    %get3A_94 = arith.constant 0 : index
    %get3A_95 = arith.constant 0 : index
    %get3A_96 = vector.load %arg9[%get3A_94, %get3A_95] : memref<1024x256xf32, #tpu.memory_space<vmem>>, vector<1024x256xf32>
    %dot_general3A_97 = arith.constant dense<0.000000e+00> : vector<128x256xf32>
    %dot_general3A_98 = tpu.matmul %convert_element_type3A_93, %get3A_96, %dot_general3A_97 {dimension_numbers = #tpu.dot_dimension_numbers<[1], [0], [0], [1], [0, 0, 1, 1], [], []>, transpose_lhs_hint = false} : vector<128x1024xf32>, vector<1024x256xf32>, vector<128x256xf32> -> vector<128x256xf32>
    %reshape3A_99 = vector.shape_cast %add3A_65 : vector<128x256xf32> to vector<16x8x256xf32>
    %swap3A = arith.constant 0 : index
    %swap3A_100 = arith.constant 0 : index
    %swap3A_101 = arith.constant 0 : index
    %swap3A_102 = vector.load %arg10[%swap3A, %swap3A_100, %swap3A_101] : memref<16x8x256xf32, #tpu.memory_space<vmem>>, vector<16x8x256xf32>
    tpu.vector_store %arg10[%swap3A, %swap3A_100, %swap3A_101], %reshape3A_99 {strides = array<i32>} : memref<16x8x256xf32, #tpu.memory_space<vmem>>, vector<16x8x256xf32>,
    %reshape3A_103 = vector.shape_cast %dot_general3A_98 : vector<128x256xf32> to vector<16x8x256xf32>
    %swap3A_104 = arith.constant 0 : index
    %swap3A_105 = arith.constant 0 : index
    %swap3A_106 = arith.constant 0 : index
    %swap3A_107 = vector.load %arg11[%swap3A_104, %swap3A_105, %swap3A_106] : memref<16x8x256xf32, #tpu.memory_space<vmem>>, vector<16x8x256xf32>
    tpu.vector_store %arg11[%swap3A_104, %swap3A_105, %swap3A_106], %reshape3A_103 {strides = array<i32>} : memref<16x8x256xf32, #tpu.memory_space<vmem>>, vector<16x8x256xf32>,
    return
  }
  func.func @transform_0(%arg0: i32) -> (i32, i32, i32) {
    %c0_i32 = arith.constant 0 : i32
    %c0_i32_0 = arith.constant 0 : i32
    %c0_i32_1 = arith.constant 0 : i32
    return %arg0, %c0_i32, %c0_i32_0 : i32, i32, i32
  }
  func.func @transform_1(%arg0: i32) -> (i32, i32) {
    %c0_i32 = arith.constant 0 : i32
    %c0_i32_0 = arith.constant 0 : i32
    %c0_i32_1 = arith.constant 0 : i32
    return %c0_i32, %c0_i32_0 : i32, i32
  }
  func.func @transform_2(%arg0: i32) -> (i32, i32) {
    %c0_i32 = arith.constant 0 : i32
    %c0_i32_0 = arith.constant 0 : i32
    %c0_i32_1 = arith.constant 0 : i32
    return %c0_i32, %c0_i32_0 : i32, i32
  }
  func.func @transform_3(%arg0: i32) -> (i32, i32) {
    %c0_i32 = arith.constant 0 : i32
    %c0_i32_0 = arith.constant 0 : i32
    %c0_i32_1 = arith.constant 0 : i32
    return %c0_i32, %c0_i32_0 : i32, i32
  }
  func.func @transform_4(%arg0: i32) -> (i32, i32) {
    %c0_i32 = arith.constant 0 : i32
    %c0_i32_0 = arith.constant 0 : i32
    %c0_i32_1 = arith.constant 0 : i32
    return %c0_i32, %c0_i32_0 : i32, i32
  }
  func.func @transform_5(%arg0: i32) -> (i32, i32) {
    %c0_i32 = arith.constant 0 : i32
    %c0_i32_0 = arith.constant 0 : i32
    %c0_i32_1 = arith.constant 0 : i32
    return %c0_i32, %c0_i32_0 : i32, i32
  }
  func.func @transform_6(%arg0: i32) -> (i32, i32) {
    %c0_i32 = arith.constant 0 : i32
    %c0_i32_0 = arith.constant 0 : i32
    %c0_i32_1 = arith.constant 0 : i32
    return %c0_i32, %c0_i32_0 : i32, i32
  }
  func.func @transform_7(%arg0: i32) -> (i32, i32) {
    %c0_i32 = arith.constant 0 : i32
    %c0_i32_0 = arith.constant 0 : i32
    %c0_i32_1 = arith.constant 0 : i32
    return %c0_i32, %c0_i32_0 : i32, i32
  }
  func.func @transform_8(%arg0: i32) -> (i32, i32) {
    %c0_i32 = arith.constant 0 : i32
    %c0_i32_0 = arith.constant 0 : i32
    %c0_i32_1 = arith.constant 0 : i32
    return %c0_i32, %c0_i32_0 : i32, i32
  }
  func.func @transform_9(%arg0: i32) -> (i32, i32, i32) {
    %c0_i32 = arith.constant 0 : i32
    %c0_i32_0 = arith.constant 0 : i32
    %c0_i32_1 = arith.constant 0 : i32
    return %arg0, %c0_i32, %c0_i32_0 : i32, i32, i32
  }
  func.func @transform_10(%arg0: i32) -> (i32, i32, i32) {
    %c0_i32 = arith.constant 0 : i32
    %c0_i32_0 = arith.constant 0 : i32
    %c0_i32_1 = arith.constant 0 : i32
    return %arg0, %c0_i32, %c0_i32_0 : i32, i32, i32
  }
}

module attributes {stable_mosaic.version = 14 : i64} {
  func.func @_decoder_loss_body(%arg0: memref<64x8x256xf32, #tpu.memory_space<vmem>>, %arg1: memref<64x8x256xf32, #tpu.memory_space<vmem>>, %arg2: memref<64x8x256xf32, #tpu.memory_space<vmem>>, %arg3: memref<64x8x256xf32, #tpu.memory_space<vmem>>, %arg4: memref<64x8x256xf32, #tpu.memory_space<vmem>>, %arg5: memref<64x8x256xf32, #tpu.memory_space<vmem>>, %arg6: memref<64x96x4xi32, #tpu.memory_space<vmem>>, %arg7: memref<512x6144xf32, #tpu.memory_space<vmem>>, %arg8: memref<1x512xf32, #tpu.memory_space<vmem>>, %arg9: memref<512x512xf32, #tpu.memory_space<vmem>>, %arg10: memref<1x512xf32, #tpu.memory_space<vmem>>, %arg11: memref<3x512x512xf32, #tpu.memory_space<vmem>>, %arg12: memref<1x512xf32, #tpu.memory_space<vmem>>, %arg13: memref<512x4096xf32, #tpu.memory_space<vmem>>, %arg14: memref<1x4096xf32, #tpu.memory_space<vmem>>, %arg15: memref<192x4096xf32, #tpu.memory_space<vmem>>, %arg16: memref<64x96x4xi32, #tpu.memory_space<vmem>>, %arg17: memref<1x1xf32, #tpu.memory_space<vmem>>) attributes {dimension_semantics = [], scalar_prefetch = 0 : i64, scratch_operands = 0 : i64, tpu.core_type = #tpu.core_type<tc>} {
    %get3A = arith.constant 0 : index
    %get3A_0 = arith.constant 0 : index
    %get3A_1 = arith.constant 0 : index
    %get3A_2 = vector.load %arg0[%get3A, %get3A_0, %get3A_1] : memref<64x8x256xf32, #tpu.memory_space<vmem>>, vector<64x8x256xf32>
    %get3A_3 = arith.constant 0 : index
    %get3A_4 = arith.constant 0 : index
    %get3A_5 = arith.constant 0 : index
    %get3A_6 = vector.load %arg1[%get3A_3, %get3A_4, %get3A_5] : memref<64x8x256xf32, #tpu.memory_space<vmem>>, vector<64x8x256xf32>
    %sub3A = arith.subf %get3A_2, %get3A_6 : vector<64x8x256xf32>
    %integer_pow3A = arith.mulf %sub3A, %sub3A : vector<64x8x256xf32>
    %reduce_sum3A = vector.shape_cast %integer_pow3A : vector<64x8x256xf32> to vector<1x64x8x256xf32>
    %reduce_sum3A_7 = arith.constant dense<0.000000e+00> : vector<1xf32>
    %reduce_sum3A_8 = vector.multi_reduction <add>, %reduce_sum3A, %reduce_sum3A_7 [1, 2, 3] : vector<1x64x8x256xf32> to vector<1xf32>
    %reduce_sum3A_9 = vector.shape_cast %reduce_sum3A_8 : vector<1xf32> to vector<1x1x1x1xf32>
    %reduce_sum3A_10 = vector.extract %reduce_sum3A_9[0, 0, 0, 0] : f32 from vector<1x1x1x1xf32>
    %get3A_11 = arith.constant 0 : index
    %get3A_12 = arith.constant 0 : index
    %get3A_13 = arith.constant 0 : index
    %get3A_14 = vector.load %arg2[%get3A_11, %get3A_12, %get3A_13] : memref<64x8x256xf32, #tpu.memory_space<vmem>>, vector<64x8x256xf32>
    %get3A_15 = arith.constant 0 : index
    %get3A_16 = arith.constant 0 : index
    %get3A_17 = arith.constant 0 : index
    %get3A_18 = vector.load %arg3[%get3A_15, %get3A_16, %get3A_17] : memref<64x8x256xf32, #tpu.memory_space<vmem>>, vector<64x8x256xf32>
    %sub3A_19 = arith.subf %get3A_14, %get3A_18 : vector<64x8x256xf32>
    %integer_pow3A_20 = arith.mulf %sub3A_19, %sub3A_19 : vector<64x8x256xf32>
    %reduce_sum3A_21 = vector.shape_cast %integer_pow3A_20 : vector<64x8x256xf32> to vector<1x64x8x256xf32>
    %reduce_sum3A_22 = arith.constant dense<0.000000e+00> : vector<1xf32>
    %reduce_sum3A_23 = vector.multi_reduction <add>, %reduce_sum3A_21, %reduce_sum3A_22 [1, 2, 3] : vector<1x64x8x256xf32> to vector<1xf32>
    %reduce_sum3A_24 = vector.shape_cast %reduce_sum3A_23 : vector<1xf32> to vector<1x1x1x1xf32>
    %reduce_sum3A_25 = vector.extract %reduce_sum3A_24[0, 0, 0, 0] : f32 from vector<1x1x1x1xf32>
    %add3A = arith.addf %reduce_sum3A_10, %reduce_sum3A_25 : f32
    %get3A_26 = arith.constant 0 : index
    %get3A_27 = arith.constant 0 : index
    %get3A_28 = arith.constant 0 : index
    %get3A_29 = vector.load %arg4[%get3A_26, %get3A_27, %get3A_28] : memref<64x8x256xf32, #tpu.memory_space<vmem>>, vector<64x8x256xf32>
    %get3A_30 = arith.constant 0 : index
    %get3A_31 = arith.constant 0 : index
    %get3A_32 = arith.constant 0 : index
    %get3A_33 = vector.load %arg5[%get3A_30, %get3A_31, %get3A_32] : memref<64x8x256xf32, #tpu.memory_space<vmem>>, vector<64x8x256xf32>
    %sub3A_34 = arith.subf %get3A_29, %get3A_33 : vector<64x8x256xf32>
    %integer_pow3A_35 = arith.mulf %sub3A_34, %sub3A_34 : vector<64x8x256xf32>
    %reduce_sum3A_36 = vector.shape_cast %integer_pow3A_35 : vector<64x8x256xf32> to vector<1x64x8x256xf32>
    %reduce_sum3A_37 = arith.constant dense<0.000000e+00> : vector<1xf32>
    %reduce_sum3A_38 = vector.multi_reduction <add>, %reduce_sum3A_36, %reduce_sum3A_37 [1, 2, 3] : vector<1x64x8x256xf32> to vector<1xf32>
    %reduce_sum3A_39 = vector.shape_cast %reduce_sum3A_38 : vector<1xf32> to vector<1x1x1x1xf32>
    %reduce_sum3A_40 = vector.extract %reduce_sum3A_39[0, 0, 0, 0] : f32 from vector<1x1x1x1xf32>
    %add3A_41 = arith.addf %add3A, %reduce_sum3A_40 : f32
    %get3A_42 = arith.constant 0 : index
    %get3A_43 = arith.constant 0 : index
    %get3A_44 = arith.constant 0 : index
    %get3A_45 = vector.load %arg1[%get3A_42, %get3A_43, %get3A_44] : memref<64x8x256xf32, #tpu.memory_space<vmem>>, vector<64x8x256xf32>
    %reshape3A = vector.shape_cast %get3A_45 : vector<64x8x256xf32> to vector<64x2048xf32>
    %get3A_46 = arith.constant 0 : index
    %get3A_47 = arith.constant 0 : index
    %get3A_48 = arith.constant 0 : index
    %get3A_49 = vector.load %arg3[%get3A_46, %get3A_47, %get3A_48] : memref<64x8x256xf32, #tpu.memory_space<vmem>>, vector<64x8x256xf32>
    %reshape3A_50 = vector.shape_cast %get3A_49 : vector<64x8x256xf32> to vector<64x2048xf32>
    %get3A_51 = arith.constant 0 : index
    %get3A_52 = arith.constant 0 : index
    %get3A_53 = arith.constant 0 : index
    %get3A_54 = vector.load %arg5[%get3A_51, %get3A_52, %get3A_53] : memref<64x8x256xf32, #tpu.memory_space<vmem>>, vector<64x8x256xf32>
    %reshape3A_55 = vector.shape_cast %get3A_54 : vector<64x8x256xf32> to vector<64x2048xf32>
    %concatenate3A = tpu.concatenate %reshape3A, %reshape3A_50, %reshape3A_55 in 1 : vector<64x2048xf32>, vector<64x2048xf32>, vector<64x2048xf32> -> vector<64x6144xf32>
    %get3A_56 = arith.constant 0 : index
    %get3A_57 = arith.constant 0 : index
    %get3A_58 = vector.load %arg7[%get3A_56, %get3A_57] : memref<512x6144xf32, #tpu.memory_space<vmem>>, vector<512x6144xf32>
    %dot_general3A = arith.constant dense<0.000000e+00> : vector<64x512xf32>
    %dot_general3A_59 = tpu.matmul %concatenate3A, %get3A_58, %dot_general3A {dimension_numbers = #tpu.dot_dimension_numbers<[1], [1], [0], [0], [0, 0, 1, 0], [], []>, transpose_lhs_hint = false} : vector<64x6144xf32>, vector<512x6144xf32>, vector<64x512xf32> -> vector<64x512xf32>
    %get3A_60 = arith.constant 0 : index
    %get3A_61 = arith.constant 0 : index
    %get3A_62 = vector.load %arg8[%get3A_60, %get3A_61] : memref<1x512xf32, #tpu.memory_space<vmem>>, vector<1x512xf32>
    %add3A_63 = vector.broadcast %get3A_62 : vector<1x512xf32> to vector<64x512xf32>
    %add3A_64 = arith.addf %dot_general3A_59, %add3A_63 : vector<64x512xf32>
    %max3A = arith.constant 0.000000e+00 : f32
    %max3A_65 = vector.broadcast %max3A : f32 to vector<64x512xf32>
    %max3A_66 = arith.maximumf %add3A_64, %max3A_65 : vector<64x512xf32>
    %get3A_67 = arith.constant 0 : index
    %get3A_68 = arith.constant 0 : index
    %get3A_69 = vector.load %arg9[%get3A_67, %get3A_68] : memref<512x512xf32, #tpu.memory_space<vmem>>, vector<512x512xf32>
    %dot_general3A_70 = arith.constant dense<0.000000e+00> : vector<64x512xf32>
    %dot_general3A_71 = tpu.matmul %max3A_66, %get3A_69, %dot_general3A_70 {dimension_numbers = #tpu.dot_dimension_numbers<[1], [1], [0], [0], [0, 0, 1, 0], [], []>, transpose_lhs_hint = false} : vector<64x512xf32>, vector<512x512xf32>, vector<64x512xf32> -> vector<64x512xf32>
    %get3A_72 = arith.constant 0 : index
    %get3A_73 = arith.constant 0 : index
    %get3A_74 = vector.load %arg10[%get3A_72, %get3A_73] : memref<1x512xf32, #tpu.memory_space<vmem>>, vector<1x512xf32>
    %add3A_75 = vector.broadcast %get3A_74 : vector<1x512xf32> to vector<64x512xf32>
    %add3A_76 = arith.addf %dot_general3A_71, %add3A_75 : vector<64x512xf32>
    %max3A_77 = arith.constant 0.000000e+00 : f32
    %max3A_78 = vector.broadcast %max3A_77 : f32 to vector<64x512xf32>
    %max3A_79 = arith.maximumf %add3A_76, %max3A_78 : vector<64x512xf32>
    %get3A_80 = arith.constant 0 : index
    %get3A_81 = arith.constant 0 : index
    %get3A_82 = arith.constant 0 : index
    %get3A_83 = vector.load %arg11[%get3A_80, %get3A_81, %get3A_82] : memref<3x512x512xf32, #tpu.memory_space<vmem>>, vector<3x512x512xf32>
    %slice3A = vector.extract_strided_slice %get3A_83 {offsets = [0, 0, 0], sizes = [1, 512, 512], strides = [1, 1, 1]} : vector<3x512x512xf32> to vector<1x512x512xf32>
    %squeeze3A = vector.shape_cast %slice3A : vector<1x512x512xf32> to vector<512x512xf32>
    %slice3A_84 = vector.extract_strided_slice %get3A_83 {offsets = [1, 0, 0], sizes = [1, 512, 512], strides = [1, 1, 1]} : vector<3x512x512xf32> to vector<1x512x512xf32>
    %squeeze3A_85 = vector.shape_cast %slice3A_84 : vector<1x512x512xf32> to vector<512x512xf32>
    %add3A_86 = arith.addf %squeeze3A, %squeeze3A_85 : vector<512x512xf32>
    %slice3A_87 = vector.extract_strided_slice %get3A_83 {offsets = [0, 0, 0], sizes = [1, 512, 512], strides = [1, 1, 1]} : vector<3x512x512xf32> to vector<1x512x512xf32>
    %squeeze3A_88 = vector.shape_cast %slice3A_87 : vector<1x512x512xf32> to vector<512x512xf32>
    %slice3A_89 = vector.extract_strided_slice %get3A_83 {offsets = [1, 0, 0], sizes = [1, 512, 512], strides = [1, 1, 1]} : vector<3x512x512xf32> to vector<1x512x512xf32>
    %squeeze3A_90 = vector.shape_cast %slice3A_89 : vector<1x512x512xf32> to vector<512x512xf32>
    %add3A_91 = arith.addf %squeeze3A_88, %squeeze3A_90 : vector<512x512xf32>
    %slice3A_92 = vector.extract_strided_slice %get3A_83 {offsets = [2, 0, 0], sizes = [1, 512, 512], strides = [1, 1, 1]} : vector<3x512x512xf32> to vector<1x512x512xf32>
    %squeeze3A_93 = vector.shape_cast %slice3A_92 : vector<1x512x512xf32> to vector<512x512xf32>
    %add3A_94 = arith.addf %add3A_91, %squeeze3A_93 : vector<512x512xf32>
    %slice3A_95 = vector.extract_strided_slice %get3A_83 {offsets = [1, 0, 0], sizes = [1, 512, 512], strides = [1, 1, 1]} : vector<3x512x512xf32> to vector<1x512x512xf32>
    %squeeze3A_96 = vector.shape_cast %slice3A_95 : vector<1x512x512xf32> to vector<512x512xf32>
    %slice3A_97 = vector.extract_strided_slice %get3A_83 {offsets = [2, 0, 0], sizes = [1, 512, 512], strides = [1, 1, 1]} : vector<3x512x512xf32> to vector<1x512x512xf32>
    %squeeze3A_98 = vector.shape_cast %slice3A_97 : vector<1x512x512xf32> to vector<512x512xf32>
    %add3A_99 = arith.addf %squeeze3A_96, %squeeze3A_98 : vector<512x512xf32>
    %get3A_100 = arith.constant 0 : index
    %get3A_101 = arith.constant 0 : index
    %get3A_102 = vector.load %arg12[%get3A_100, %get3A_101] : memref<1x512xf32, #tpu.memory_space<vmem>>, vector<1x512xf32>
    %dot_general3A_103 = arith.constant dense<0.000000e+00> : vector<64x512xf32>
    %dot_general3A_104 = tpu.matmul %max3A_79, %add3A_86, %dot_general3A_103 {dimension_numbers = #tpu.dot_dimension_numbers<[1], [0], [0], [1], [0, 0, 1, 1], [], []>, transpose_lhs_hint = false} : vector<64x512xf32>, vector<512x512xf32>, vector<64x512xf32> -> vector<64x512xf32>
    %add3A_105 = vector.broadcast %get3A_102 : vector<1x512xf32> to vector<64x512xf32>
    %add3A_106 = arith.addf %dot_general3A_104, %add3A_105 : vector<64x512xf32>
    %max3A_107 = arith.constant 0.000000e+00 : f32
    %max3A_108 = vector.broadcast %max3A_107 : f32 to vector<64x512xf32>
    %max3A_109 = arith.maximumf %add3A_106, %max3A_108 : vector<64x512xf32>
    %dot_general3A_110 = arith.constant dense<0.000000e+00> : vector<64x512xf32>
    %dot_general3A_111 = tpu.matmul %max3A_79, %add3A_94, %dot_general3A_110 {dimension_numbers = #tpu.dot_dimension_numbers<[1], [0], [0], [1], [0, 0, 1, 1], [], []>, transpose_lhs_hint = false} : vector<64x512xf32>, vector<512x512xf32>, vector<64x512xf32> -> vector<64x512xf32>
    %add3A_112 = vector.broadcast %get3A_102 : vector<1x512xf32> to vector<64x512xf32>
    %add3A_113 = arith.addf %dot_general3A_111, %add3A_112 : vector<64x512xf32>
    %max3A_114 = arith.constant 0.000000e+00 : f32
    %max3A_115 = vector.broadcast %max3A_114 : f32 to vector<64x512xf32>
    %max3A_116 = arith.maximumf %add3A_113, %max3A_115 : vector<64x512xf32>
    %dot_general3A_117 = arith.constant dense<0.000000e+00> : vector<64x512xf32>
    %dot_general3A_118 = tpu.matmul %max3A_79, %add3A_99, %dot_general3A_117 {dimension_numbers = #tpu.dot_dimension_numbers<[1], [0], [0], [1], [0, 0, 1, 1], [], []>, transpose_lhs_hint = false} : vector<64x512xf32>, vector<512x512xf32>, vector<64x512xf32> -> vector<64x512xf32>
    %add3A_119 = vector.broadcast %get3A_102 : vector<1x512xf32> to vector<64x512xf32>
    %add3A_120 = arith.addf %dot_general3A_118, %add3A_119 : vector<64x512xf32>
    %max3A_121 = arith.constant 0.000000e+00 : f32
    %max3A_122 = vector.broadcast %max3A_121 : f32 to vector<64x512xf32>
    %max3A_123 = arith.maximumf %add3A_120, %max3A_122 : vector<64x512xf32>
    %concatenate3A_124 = tpu.concatenate %max3A_109, %max3A_116, %max3A_123 in 0 : vector<64x512xf32>, vector<64x512xf32>, vector<64x512xf32> -> vector<192x512xf32>
    %get3A_125 = arith.constant 0 : index
    %get3A_126 = arith.constant 0 : index
    %get3A_127 = vector.load %arg13[%get3A_125, %get3A_126] : memref<512x4096xf32, #tpu.memory_space<vmem>>, vector<512x4096xf32>
    %dot_general3A_128 = arith.constant dense<0.000000e+00> : vector<192x4096xf32>
    %dot_general3A_129 = tpu.matmul %concatenate3A_124, %get3A_127, %dot_general3A_128 {dimension_numbers = #tpu.dot_dimension_numbers<[1], [0], [0], [1], [0, 0, 1, 1], [], []>, transpose_lhs_hint = false} : vector<192x512xf32>, vector<512x4096xf32>, vector<192x4096xf32> -> vector<192x4096xf32>
    %get3A_130 = arith.constant 0 : index
    %get3A_131 = arith.constant 0 : index
    %get3A_132 = vector.load %arg14[%get3A_130, %get3A_131] : memref<1x4096xf32, #tpu.memory_space<vmem>>, vector<1x4096xf32>
    %add3A_133 = vector.broadcast %get3A_132 : vector<1x4096xf32> to vector<192x4096xf32>
    %add3A_134 = arith.addf %dot_general3A_129, %add3A_133 : vector<192x4096xf32>
    %swap3A = arith.constant 0 : index
    %swap3A_135 = arith.constant 0 : index
    %swap3A_136 = vector.load %arg15[%swap3A, %swap3A_135] : memref<192x4096xf32, #tpu.memory_space<vmem>>, vector<192x4096xf32>
    tpu.vector_store %arg15[%swap3A, %swap3A_135], %add3A_134 {strides = array<i32>} : memref<192x4096xf32, #tpu.memory_space<vmem>>, vector<192x4096xf32>,
    %get3A_137 = arith.constant 0 : index
    %get3A_138 = arith.constant 0 : index
    %get3A_139 = arith.constant 0 : index
    %get3A_140 = vector.load %arg6[%get3A_137, %get3A_138, %get3A_139] : memref<64x96x4xi32, #tpu.memory_space<vmem>>, vector<64x96x4xi32>
    %iota3A = tpu.iota {dimensions = array<i32: 1>} : vector<64x96x4xi32>
    %iota3A_141 = tpu.iota {dimensions = array<i32: 0>} : vector<64x96x4xi32>
    %iota3A_142 = tpu.iota {dimensions = array<i32: 2>} : vector<64x96x4xi32>
    %eq3A = arith.constant 0 : i32
    %eq3A_143 = vector.broadcast %eq3A : i32 to vector<64x96x4xi32>
    %eq3A_144 = arith.cmpi eq, %iota3A, %eq3A_143 : vector<64x96x4xi32>
    %eq3A_145 = arith.constant 95 : i32
    %eq3A_146 = vector.broadcast %eq3A_145 : i32 to vector<64x96x4xi32>
    %eq3A_147 = arith.cmpi eq, %iota3A, %eq3A_146 : vector<64x96x4xi32>
    %jit3A = arith.constant 2 : i32
    %jit3A_148 = arith.constant 1 : i32
    %broadcast_in_dim3A = vector.broadcast %jit3A : i32 to vector<64x96x4xi32>
    %broadcast_in_dim3A_149 = vector.broadcast %jit3A_148 : i32 to vector<64x96x4xi32>
    %select_n3A = arith.select %eq3A_147, %broadcast_in_dim3A, %broadcast_in_dim3A_149 : vector<64x96x4xi1>, vector<64x96x4xi32>
    %jit3A_150 = arith.constant 0 : i32
    %broadcast_in_dim3A_151 = vector.broadcast %jit3A_150 : i32 to vector<64x96x4xi32>
    %select_n3A_152 = arith.select %eq3A_144, %broadcast_in_dim3A_151, %select_n3A : vector<64x96x4xi1>, vector<64x96x4xi32>
    %mul3A = arith.constant 64 : i32
    %mul3A_153 = vector.broadcast %mul3A : i32 to vector<64x96x4xi32>
    %mul3A_154 = arith.muli %select_n3A_152, %mul3A_153 : vector<64x96x4xi32>
    %add3A_155 = arith.addi %mul3A_154, %iota3A_141 : vector<64x96x4xi32>
    %mul3A_156 = arith.constant 4096 : i32
    %mul3A_157 = vector.broadcast %mul3A_156 : i32 to vector<64x96x4xi32>
    %mul3A_158 = arith.muli %add3A_155, %mul3A_157 : vector<64x96x4xi32>
    %mul3A_159 = arith.constant 1024 : i32
    %mul3A_160 = vector.broadcast %mul3A_159 : i32 to vector<64x96x4xi32>
    %mul3A_161 = arith.muli %iota3A_142, %mul3A_160 : vector<64x96x4xi32>
    %add3A_162 = arith.addi %mul3A_158, %mul3A_161 : vector<64x96x4xi32>
    %add3A_163 = arith.addi %add3A_162, %get3A_140 : vector<64x96x4xi32>
    %swap3A_164 = arith.constant 0 : index
    %swap3A_165 = arith.constant 0 : index
    %swap3A_166 = arith.constant 0 : index
    %swap3A_167 = vector.load %arg16[%swap3A_164, %swap3A_165, %swap3A_166] : memref<64x96x4xi32, #tpu.memory_space<vmem>>, vector<64x96x4xi32>
    tpu.vector_store %arg16[%swap3A_164, %swap3A_165, %swap3A_166], %add3A_163 {strides = array<i32>} : memref<64x96x4xi32, #tpu.memory_space<vmem>>, vector<64x96x4xi32>,
    %iota3A_168 = tpu.iota {dimensions = array<i32: 0>} : vector<192x1xi32>
    %ge3A = arith.constant 64 : i32
    %ge3A_169 = vector.broadcast %ge3A : i32 to vector<192x1xi32>
    %ge3A_170 = arith.cmpi sge, %iota3A_168, %ge3A_169 : vector<192x1xi32>
    %lt3A = arith.constant 128 : i32
    %lt3A_171 = vector.broadcast %lt3A : i32 to vector<192x1xi32>
    %lt3A_172 = arith.cmpi slt, %iota3A_168, %lt3A_171 : vector<192x1xi32>
    %and3A = arith.andi %ge3A_170, %lt3A_172 : vector<192x1xi1>
    %jit3A_173 = arith.constant 9.400000e+01 : f32
    %jit3A_174 = arith.constant 1.000000e+00 : f32
    %broadcast_in_dim3A_175 = vector.broadcast %jit3A_173 : f32 to vector<192x1xf32>
    %broadcast_in_dim3A_176 = vector.broadcast %jit3A_174 : f32 to vector<192x1xf32>
    %select_n3A_177 = arith.select %and3A, %broadcast_in_dim3A_175, %broadcast_in_dim3A_176 : vector<192x1xi1>, vector<192x1xf32>
    %slice3A_178 = vector.extract_strided_slice %add3A_134 {offsets = [0, 0], sizes = [192, 1024], strides = [1, 1]} : vector<192x4096xf32> to vector<192x1024xf32>
    %reduce_max3A = arith.constant dense<0xFF800000> : vector<192xf32>
    %reduce_max3A_179 = vector.multi_reduction <maximumf>, %slice3A_178, %reduce_max3A [1] : vector<192x1024xf32> to vector<192xf32>
    %broadcast_in_dim3A_180 = vector.shape_cast %reduce_max3A_179 : vector<192xf32> to vector<192x1xf32>
    %sub3A_181 = vector.broadcast %broadcast_in_dim3A_180 : vector<192x1xf32> to vector<192x1024xf32>
    %sub3A_182 = arith.subf %slice3A_178, %sub3A_181 : vector<192x1024xf32>
    %exp3A = math.exp %sub3A_182 : vector<192x1024xf32>
    %reduce_sum3A_183 = arith.constant dense<0.000000e+00> : vector<192xf32>
    %reduce_sum3A_184 = vector.multi_reduction <add>, %exp3A, %reduce_sum3A_183 [1] : vector<192x1024xf32> to vector<192xf32>
    %broadcast_in_dim3A_185 = vector.shape_cast %reduce_sum3A_184 : vector<192xf32> to vector<192x1xf32>
    %log3A = math.log %broadcast_in_dim3A_185 : vector<192x1xf32>
    %add3A_186 = arith.addf %broadcast_in_dim3A_180, %log3A : vector<192x1xf32>
    %mul3A_187 = arith.mulf %select_n3A_177, %add3A_186 : vector<192x1xf32>
    %reduce_sum3A_188 = vector.shape_cast %mul3A_187 : vector<192x1xf32> to vector<1x192x1xf32>
    %reduce_sum3A_189 = arith.constant dense<0.000000e+00> : vector<1xf32>
    %reduce_sum3A_190 = vector.multi_reduction <add>, %reduce_sum3A_188, %reduce_sum3A_189 [1, 2] : vector<1x192x1xf32> to vector<1xf32>
    %reduce_sum3A_191 = vector.shape_cast %reduce_sum3A_190 : vector<1xf32> to vector<1x1x1xf32>
    %reduce_sum3A_192 = vector.extract %reduce_sum3A_191[0, 0, 0] : f32 from vector<1x1x1xf32>
    %add3A_193 = arith.constant 0.000000e+00 : f32
    %add3A_194 = arith.addf %add3A_193, %reduce_sum3A_192 : f32
    %slice3A_195 = vector.extract_strided_slice %add3A_134 {offsets = [0, 1024], sizes = [192, 1024], strides = [1, 1]} : vector<192x4096xf32> to vector<192x1024xf32>
    %reduce_max3A_196 = arith.constant dense<0xFF800000> : vector<192xf32>
    %reduce_max3A_197 = vector.multi_reduction <maximumf>, %slice3A_195, %reduce_max3A_196 [1] : vector<192x1024xf32> to vector<192xf32>
    %broadcast_in_dim3A_198 = vector.shape_cast %reduce_max3A_197 : vector<192xf32> to vector<192x1xf32>
    %sub3A_199 = vector.broadcast %broadcast_in_dim3A_198 : vector<192x1xf32> to vector<192x1024xf32>
    %sub3A_200 = arith.subf %slice3A_195, %sub3A_199 : vector<192x1024xf32>
    %exp3A_201 = math.exp %sub3A_200 : vector<192x1024xf32>
    %reduce_sum3A_202 = arith.constant dense<0.000000e+00> : vector<192xf32>
    %reduce_sum3A_203 = vector.multi_reduction <add>, %exp3A_201, %reduce_sum3A_202 [1] : vector<192x1024xf32> to vector<192xf32>
    %broadcast_in_dim3A_204 = vector.shape_cast %reduce_sum3A_203 : vector<192xf32> to vector<192x1xf32>
    %log3A_205 = math.log %broadcast_in_dim3A_204 : vector<192x1xf32>
    %add3A_206 = arith.addf %broadcast_in_dim3A_198, %log3A_205 : vector<192x1xf32>
    %mul3A_207 = arith.mulf %select_n3A_177, %add3A_206 : vector<192x1xf32>
    %reduce_sum3A_208 = vector.shape_cast %mul3A_207 : vector<192x1xf32> to vector<1x192x1xf32>
    %reduce_sum3A_209 = arith.constant dense<0.000000e+00> : vector<1xf32>
    %reduce_sum3A_210 = vector.multi_reduction <add>, %reduce_sum3A_208, %reduce_sum3A_209 [1, 2] : vector<1x192x1xf32> to vector<1xf32>
    %reduce_sum3A_211 = vector.shape_cast %reduce_sum3A_210 : vector<1xf32> to vector<1x1x1xf32>
    %reduce_sum3A_212 = vector.extract %reduce_sum3A_211[0, 0, 0] : f32 from vector<1x1x1xf32>
    %add3A_213 = arith.addf %add3A_194, %reduce_sum3A_212 : f32
    %slice3A_214 = vector.extract_strided_slice %add3A_134 {offsets = [0, 2048], sizes = [192, 1024], strides = [1, 1]} : vector<192x4096xf32> to vector<192x1024xf32>
    %reduce_max3A_215 = arith.constant dense<0xFF800000> : vector<192xf32>
    %reduce_max3A_216 = vector.multi_reduction <maximumf>, %slice3A_214, %reduce_max3A_215 [1] : vector<192x1024xf32> to vector<192xf32>
    %broadcast_in_dim3A_217 = vector.shape_cast %reduce_max3A_216 : vector<192xf32> to vector<192x1xf32>
    %sub3A_218 = vector.broadcast %broadcast_in_dim3A_217 : vector<192x1xf32> to vector<192x1024xf32>
    %sub3A_219 = arith.subf %slice3A_214, %sub3A_218 : vector<192x1024xf32>
    %exp3A_220 = math.exp %sub3A_219 : vector<192x1024xf32>
    %reduce_sum3A_221 = arith.constant dense<0.000000e+00> : vector<192xf32>
    %reduce_sum3A_222 = vector.multi_reduction <add>, %exp3A_220, %reduce_sum3A_221 [1] : vector<192x1024xf32> to vector<192xf32>
    %broadcast_in_dim3A_223 = vector.shape_cast %reduce_sum3A_222 : vector<192xf32> to vector<192x1xf32>
    %log3A_224 = math.log %broadcast_in_dim3A_223 : vector<192x1xf32>
    %add3A_225 = arith.addf %broadcast_in_dim3A_217, %log3A_224 : vector<192x1xf32>
    %mul3A_226 = arith.mulf %select_n3A_177, %add3A_225 : vector<192x1xf32>
    %reduce_sum3A_227 = vector.shape_cast %mul3A_226 : vector<192x1xf32> to vector<1x192x1xf32>
    %reduce_sum3A_228 = arith.constant dense<0.000000e+00> : vector<1xf32>
    %reduce_sum3A_229 = vector.multi_reduction <add>, %reduce_sum3A_227, %reduce_sum3A_228 [1, 2] : vector<1x192x1xf32> to vector<1xf32>
    %reduce_sum3A_230 = vector.shape_cast %reduce_sum3A_229 : vector<1xf32> to vector<1x1x1xf32>
    %reduce_sum3A_231 = vector.extract %reduce_sum3A_230[0, 0, 0] : f32 from vector<1x1x1xf32>
    %add3A_232 = arith.addf %add3A_213, %reduce_sum3A_231 : f32
    %slice3A_233 = vector.extract_strided_slice %add3A_134 {offsets = [0, 3072], sizes = [192, 1024], strides = [1, 1]} : vector<192x4096xf32> to vector<192x1024xf32>
    %reduce_max3A_234 = arith.constant dense<0xFF800000> : vector<192xf32>
    %reduce_max3A_235 = vector.multi_reduction <maximumf>, %slice3A_233, %reduce_max3A_234 [1] : vector<192x1024xf32> to vector<192xf32>
    %broadcast_in_dim3A_236 = vector.shape_cast %reduce_max3A_235 : vector<192xf32> to vector<192x1xf32>
    %sub3A_237 = vector.broadcast %broadcast_in_dim3A_236 : vector<192x1xf32> to vector<192x1024xf32>
    %sub3A_238 = arith.subf %slice3A_233, %sub3A_237 : vector<192x1024xf32>
    %exp3A_239 = math.exp %sub3A_238 : vector<192x1024xf32>
    %reduce_sum3A_240 = arith.constant dense<0.000000e+00> : vector<192xf32>
    %reduce_sum3A_241 = vector.multi_reduction <add>, %exp3A_239, %reduce_sum3A_240 [1] : vector<192x1024xf32> to vector<192xf32>
    %broadcast_in_dim3A_242 = vector.shape_cast %reduce_sum3A_241 : vector<192xf32> to vector<192x1xf32>
    %log3A_243 = math.log %broadcast_in_dim3A_242 : vector<192x1xf32>
    %add3A_244 = arith.addf %broadcast_in_dim3A_236, %log3A_243 : vector<192x1xf32>
    %mul3A_245 = arith.mulf %select_n3A_177, %add3A_244 : vector<192x1xf32>
    %reduce_sum3A_246 = vector.shape_cast %mul3A_245 : vector<192x1xf32> to vector<1x192x1xf32>
    %reduce_sum3A_247 = arith.constant dense<0.000000e+00> : vector<1xf32>
    %reduce_sum3A_248 = vector.multi_reduction <add>, %reduce_sum3A_246, %reduce_sum3A_247 [1, 2] : vector<1x192x1xf32> to vector<1xf32>
    %reduce_sum3A_249 = vector.shape_cast %reduce_sum3A_248 : vector<1xf32> to vector<1x1x1xf32>
    %reduce_sum3A_250 = vector.extract %reduce_sum3A_249[0, 0, 0] : f32 from vector<1x1x1xf32>
    %add3A_251 = arith.addf %add3A_232, %reduce_sum3A_250 : f32
    %div3A = arith.constant 2.457600e+04 : f32
    %div3A_252 = arith.divf %add3A_251, %div3A : f32
    %mul3A_253 = arith.constant 1.000000e-01 : f32
    %mul3A_254 = arith.mulf %mul3A_253, %add3A_41 : f32
    %div3A_255 = arith.constant 1.310720e+05 : f32
    %div3A_256 = arith.divf %mul3A_254, %div3A_255 : f32
    %add3A_257 = arith.addf %div3A_252, %div3A_256 : f32
    %reshape3A_258 = vector.broadcast %add3A_257 : f32 to vector<1x1xf32>
    %swap3A_259 = arith.constant 0 : index
    %swap3A_260 = arith.constant 0 : index
    %swap3A_261 = vector.load %arg17[%swap3A_259, %swap3A_260] : memref<1x1xf32, #tpu.memory_space<vmem>>, vector<1x1xf32>
    tpu.vector_store %arg17[%swap3A_259, %swap3A_260], %reshape3A_258 {strides = array<i32>} : memref<1x1xf32, #tpu.memory_space<vmem>>, vector<1x1xf32>,
    return
  }
}

</mosaic_0001>

<sc_bundles>
// kernel: _run.10.cloned.1.call-start
scs
__scs_entry_jumppad:
0x0: {  	(pc) =	sbr.rel $0x88, $3  }
0x1: {  	(tag) =	ssettag $0x0;
	lr =	simm.s32 $0x1  }
0x2: {  	[smem:$0x3F8E] =	sst lr;
	_ =	strace $0xD0000000  }
0x3: {  	_ = 	snop  }
0x4: {  	_ = 	snop  }
0x5: {  	_ = 	snop  }
0x6: {  	_ = 	snop  }
0x7: {  	_ = 	snop  }
__scs_overlays_trampoline_lowered:
0x8: {  	[smem:$0x3F9D] =	sst s0  }
0x9: {  	[smem:$0x3F9E] =	sst s1  }
0xa: {  	[smem:$0x3F9F] =	sst s2  }
0xb: {  	[smem:$0x3FA0] =	sst s3  }
0xc: {  	[smem:$0x3FA1] =	sst s4  }
0xd: {  	[smem:$0x3FA2] =	sst s5  }
0xe: {  	[smem:$0x3FA3] =	sst s6  }
0xf: {  	[smem:$0x3FA4] =	sst s7  }
0x10: {  	[smem:$0x3FA5] =	sst s8  }
0x11: {  	[smem:$0x3FA6] =	sst s9;
	s0 =	simm.s32 @!p0 $0x0  }
0x12: {  	s1 =	sld [smem:$0x3F8C];
	s0 =	simm.s32 @p0 $0x1  }
0x13: {  	[smem:$0x3FA7] =	sst s0;
	s0 =	simm.s32 @!p1 $0x0  }
0x14: {  	s2 =	sld [smem:$0x3F8B];
	s0 =	simm.s32 @p1 $0x1  }
0x15: {  	[smem:$0x3FA8] =	sst s0;
	s0 =	simm.s32 @!p2 $0x0  }
0x16: {  	s3 =	sld [smem:$0x3FDB];
	s0 =	simm.s32 @p2 $0x1  }
0x17: {  	s4 =	simm.s32 $0x1BF5;
	[smem:$0x3FAA] =	sst s0  }
0x18: {  	s0 =	sld [smem:$0x3F8D];
	_ =	swait.ge [sflag:s4], $0x0  }
0x19: {  	s7 =	sld [smem:$0x3F8E]  }
0x1a: {  	s8 =	sadd.s32 $0xFFFFE003, lr  }
0x1b: {  	s9 =	sadd.s32 $0xFFFFFEF7, lr;
	s5 =	simm.s32 $0xFFFFFFFF;
	p2 =	slt.u32 s8, $0xFFFFF086  }
0x1c: {  	p1 =	slt.u32 s9, $0xF7A;
	s5 =	simm.s32 @!p2 $0x0  }
0x1d: {  	s5 =	simm.s32 @p1 $0x1;
	p0 =	seq.s32 s7, s2  }
0x1e: {  	s7 =	smul.u32 @!p0 $0xF7A, s2;
	p2 =	seq.s32 @!p0 s5, $0x0  }
0x1f: {  	s9 =	smul.u32 $0xF7A, s1;
	s8 =	simm.s32 @!p0 $0x1BF5;
	p2 =	por !p2, p0  }
0x20: {  	[sflag:s8] =	ssyncset.s32 @!p0 $0xFFFFF086;
	s6 =	sadd.s32 @!p0 s3, s7;
	s7 =	simm.s32 @!p0 $0x108  }
0x21: {  	s3 =	sadd.s32 s3, s9;
	s6 =	sadd.s32 @!p0 $0x88, s6;
	s7 =	simm.s32 @p2 $0x1082  }
0x22: {  	[simem:s7], [sflag:s8] =	dma.local @!p0 [hbm:s6], $0xF7A  }
0x23: {  	s9 =	sor.u32 $0xD0000000, s2;
	s6 =	simm.s32 $0x108;
	_ =	swait.ge @!p0 [sflag:s8], $0x0  }
0x24: {  	s3 =	sadd.s32 $0x88, s3;
	s6 =	simm.s32 @!p1 $0x1082;
	[sflag:s4] =	ssyncset.s32 $0xFFFFF086  }
0x25: {  	[simem:s6], [sflag:s4] =	dma.local [hbm:s3], $0xF7A  }
0x26: {  	[smem:$0x3F8E] =	sst s1;
	(tag) =	ssettag s2;
	_ =	strace s9  }
0x27: {  	s1 =	sld [smem:$0x3F9E]  }
0x28: {  	s2 =	sld [smem:$0x3F9F]  }
0x29: {  	s4 =	sld [smem:$0x3FA1]  }
0x2a: {  	p0 =	seq.s32 s5, $0x0;
	s5 =	sld [smem:$0x3FA2]  }
0x2b: {  	s6 =	sld [smem:$0x3FA3]  }
0x2c: {  	s7 =	sld [smem:$0x3FA4]  }
0x2d: {  	s3 =	simm.s32 $0x108;
	s8 =	sld [smem:$0x3FA5]  }
0x2e: {  	s3 =	simm.s32 @!p0 $0x1082;
	s9 =	sld [smem:$0x3FA6]  }
0x2f: {  	lr =	sadd.s32 s0, s3;
	s0 =	sld [smem:$0x3F9D]  }
0x30: {  	s3 =	sld [smem:$0x3FA0]  }
0x31: {  	[smem:$0x3FA9] =	sst s10  }
0x32: {  	s10 =	sld [smem:$0x3FA7];
	_ =	sdelay $0x3  }
0x33: {  	p0 =	seq.s32 s10, $0x1;
	s10 =	sld [smem:$0x3FA9];
	_ =	sdelay $0x3  }
0x34: {  	[smem:$0x3FA9] =	sst s10  }
0x35: {  	s10 =	sld [smem:$0x3FA8];
	_ =	sdelay $0x3  }
0x36: {  	p1 =	seq.s32 s10, $0x1;
	s10 =	sld [smem:$0x3FA9];
	_ =	sdelay $0x3  }
0x37: {  	[smem:$0x3FA9] =	sst s10  }
0x38: {  	s10 =	sld [smem:$0x3FAA]  }
0x39: {  	_ = 	snop;
	(pc) =	sbr.ind lr, $3  }
0x3a: {  	_ = 	snop  }
0x3b: {  	_ = 	snop  }
0x3c: {  	p2 =	seq.s32 s10, $0x1;
	s10 =	sld [smem:$0x3FA9]  }
0x3d: {  	_ =	shalt  }
0x3e: {  	_ =	shalt  }
0x3f: {  	_ =	shalt  }
0x40: {  	_ =	shalt  }
0x41: {  	_ =	shalt  }
0x42: {  	_ =	shalt  }
0x43: {  	_ =	shalt  }
0x44: {  	_ =	shalt  }
0x45: {  	_ =	shalt  }
0x46: {  	_ =	shalt  }
0x47: {  	_ =	shalt  }
0x48: {  	_ =	shalt  }
0x49: {  	_ =	shalt  }
0x4a: {  	_ =	shalt  }
0x4b: {  	_ =	shalt  }
0x4c: {  	_ =	shalt  }
0x4d: {  	_ =	shalt  }
0x4e: {  	_ =	shalt  }
0x4f: {  	_ =	shalt  }
0x50: {  	_ =	shalt  }
0x51: {  	_ =	shalt  }
0x52: {  	_ =	shalt  }
0x53: {  	_ =	shalt  }
0x54: {  	_ =	shalt  }
0x55: {  	_ =	shalt  }
0x56: {  	_ =	shalt  }
0x57: {  	_ =	shalt  }
0x58: {  	_ =	shalt  }
0x59: {  	_ =	shalt  }
0x5a: {  	_ =	shalt  }
0x5b: {  	_ =	shalt  }
0x5c: {  	_ =	shalt  }
0x5d: {  	_ =	shalt  }
0x5e: {  	_ =	shalt  }
0x5f: {  	_ =	shalt  }
0x60: {  	_ =	shalt  }
0x61: {  	_ =	shalt  }
0x62: {  	_ =	shalt  }
0x63: {  	_ =	shalt  }
0x64: {  	_ =	shalt  }
0x65: {  	_ =	shalt  }
0x66: {  	_ =	shalt  }
0x67: {  	_ =	shalt  }
0x68: {  	_ =	shalt  }
0x69: {  	_ =	shalt  }
0x6a: {  	_ =	shalt  }
0x6b: {  	_ =	shalt  }
0x6c: {  	_ =	shalt  }
0x6d: {  	_ =	shalt  }
0x6e: {  	_ =	shalt  }
0x6f: {  	_ =	shalt  }
0x70: {  	_ =	shalt  }
0x71: {  	_ =	shalt  }
0x72: {  	_ =	shalt  }
0x73: {  	_ =	shalt  }
0x74: {  	_ =	shalt  }
0x75: {  	_ =	shalt  }
0x76: {  	_ =	shalt  }
0x77: {  	_ =	shalt  }
0x78: {  	_ =	shalt  }
0x79: {  	_ =	shalt  }
0x7a: {  	_ =	shalt  }
0x7b: {  	_ =	shalt  }
0x7c: {  	_ =	shalt  }
0x7d: {  	_ =	shalt  }
0x7e: {  	_ =	shalt  }
0x7f: {  	_ =	shalt  }
0x80: {  	_ =	shalt  }
0x81: {  	_ =	shalt  }
0x82: {  	_ =	shalt  }
0x83: {  	_ =	shalt  }
0x84: {  	_ =	shalt  }
0x85: {  	_ =	shalt  }
0x86: {  	_ =	shalt  }
0x87: {  	_ =	shalt  }
.Lfunc_end0:
.L_simem_size_0:
called_computation_lowered:
.L_overlay_start_0:
0x88: {  	s2 =	sld [smem:$0x3FD9]  }
0x89: {  	s3 =	sld [smem:$0x3FFE];
	_ =	sdelay $0x1  }
0x8a: {  	s1 =	srdreg.scid  }
0x8b: {  	s0 =	sand.u32 $0x1, s1  }
0x8c: {  	s17 =	sshll.u32 s0, $0xA;
	s2 =	sadd.s32 s3, s2  }
0x8d: {  	s2 =	sadd.s32 s2, s17  }
0x8e: {  	[smem:$0x3FB5] =	sst s2  }
0x8f: {  	_ = 	snop  }
0x90: {  	s18 =	sld [smem:$0x3FC6];
	(tm) =	ssettm $0x1  }
0x91: {  	s19 =	sld [smem:$0x3FFB];
	_ =	sdelay $0x3  }
0x92: {  	_ =	strace s19  }
0x93: {  	s2 =	sld [smem:$0x3FFC];
	_ =	sdelay $0x3  }
0x94: {  	_ =	strace s2  }
0x95: {  	s2 =	sld [smem:$0x3FFD];
	_ =	sdelay $0x3  }
0x96: {  	_ =	strace s2  }
0x97: {  	_ =	strace $0x8FFFFFFF  }
0x98: {  	s20 =	sld [smem:$0x3FDB];
	_ =	sdelay $0x1  }
0x99: {  	s4 =	simm.s32 $_scs_section_size  }
0x9a: {  	s5 =	simm.s32 $_size__tile_overlayer_lowered;
	s6 =	simm.s32 $_tile_overlayer_lowered  }
0x9b: {  	s7 =	simm.s32 $0x1BFF;
	s21 =	sshll.u32 s6, $0x1;
	s4 =	sadd.s32 s4, s20  }
0x9c: {  	s22 =	simm.s32 $0x0;
	s5 =	sshll.u32 s5, $0x1;
	s6 =	sadd.s32 s21, s4  }
0x9d: {  	[timem:s22], [sflag:s7] =	dma.local [hbm:s6], s5  }
0x9e: {  	_ =	swait.ge [sflag:s7], s5  }
0x9f: {  	s5 =	ssub.s32 $0x0, s5;
	[sflag:s7] =	ssyncset.done $0x0  }
0xa0: {  	[sflag:s7] =	ssyncadd.s32 s5;
	_ =	sdelay $0x1  }
0xa1: {  	s23 =	simm.s32 $0x1B8B  }
0xa2: {  	_ =	swait.ge [sflag:s23], $0x1  }
0xa3: {  	[sflag:s23] =	ssyncset.done $0x0  }
0xa4: {  	[sflag:s23] =	ssyncadd.s32 $0xFFFFFFFF  }
0xa5: {  	s5 =	sld [smem:$0x0]  }
0xa6: {  	s6 =	sand.u32 $0xFFFFFFFE, s1  }
0xa7: {  	p0 =	sne.s32 s1, s6  }
0xa8: {  	s6 =	sshll.u32 @p0 s6, $0xE  }
0xa9: {  	s6 =	sadd.s32 @p0 $0x11B8D, s6;
	s7 =	sshll.u32 @p0 s5, $0x11  }
0xaa: {  	s6 =	sor.u32 @p0 s7, s6  }
0xab: {  	[sflag:s6] =	ssyncadd.remote.s32 @p0 $0x1;
	_ =	sdelay $0x1  }
0xac: {  	s6 =	simm.s32 @p0 $0x1B8D  }
0xad: {  	_ =	swait.eq @p0 [sflag:s6], $0x1  }
0xae: {  	[sflag:s6] =	ssyncadd.s32 @p0 $0xFFFFFFFF  }
0xaf: {  	s7 =	sshll.u32 @!p0 s1, $0xE  }
0xb0: {  	s7 =	sor.u32 @!p0 $0x4000, s7;
	s6 =	simm.s32 @!p0 $0x1B8D  }
0xb1: {  	s5 =	sshll.u32 @!p0 s5, $0x11;
	s7 =	sadd.s32 @!p0 $0x11B8D, s7;
	_ =	swait.eq @!p0 [sflag:s6], $0x1  }
0xb2: {  	s5 =	sor.u32 @!p0 s5, s7;
	[sflag:s6] =	ssyncadd.s32 @!p0 $0xFFFFFFFF  }
0xb3: {  	s25 =	simm.s32 $0x1B8E;
	s24 =	sld [smem:$0x3FFE];
	[sflag:s5] =	ssyncadd.remote.s32 @!p0 $0x1  }
0xb4: {  	s26 =	simm.s32 $execute0_lowered;
	[smem:$0x3FD2] =	sst s25  }
0xb5: {  	s6 =	sshll.u32 s26, $0x1;
	_ =	strace $0x80000049;
	[dreg:$0x1] =	wrdreg $0xFFFFFFFF  }
0xb6: {  	s28 =	simm.s32 $_size_execute0_lowered;
	s4 =	sadd.s32 s4, s6;
	[dreg:$0x0] =	wrdreg $0x0  }
0xb7: {  	s6 =	sshll.u32 s28, $0x1;
	[dreg:$0x2] =	wrdreg s4  }
0xb8: {  	[dreg:$0x3] =	wrdreg s6  }
0xb9: {  	[dreg:$0x4] =	wrdreg $0xC0  }
0xba: {  	_ =	task [dreg:s22], $0x5FFFF  }
0xbb: {  	[dreg:$0x1] =	wrdreg $0xFFFFFFFF  }
0xbc: {  	[dreg:$0x0] =	wrdreg $0x60  }
0xbd: {  	[dreg:$0x2] =	wrdreg s18  }
0xbe: {  	[dreg:$0x3] =	wrdreg s24  }
0xbf: {  	[dreg:$0x4] =	wrdreg $0x9  }
0xc0: {  	_ =	task.clear_ibuf [dreg:s22], $0x5FFFF;
	_ =	strace $0x90000049  }
0xc1: {  	s29 =	simm.s32 $0x9;
	_ =	strace $0x8000004B  }
0xc2: {  	_ =	swait.ge [sflag:s29], $0x1  }
0xc3: {  	[sflag:s29] =	ssyncadd.s32 $0xFFFFFFFF  }
0xc4: {  	_ =	strace $0x9000004B  }
0xc5: {  	_ =	sfence  }
0xc6: {  	s30 =	sld [smem:$0x0];
	_ =	sdelay $0x2  }
0xc7: {  	s31 =	sshll.u32 s1, $0xD;
	s1 =	sshrl.u32 s1, $0x2  }
0xc8: {  	s4 =	sand.u32 $0x4000, s31;
	s1 =	sadd.s32 s1, s30  }
0xc9: {  	s0 =	sor.u32 s4, s0;
	s1 =	sshll.u32 s1, $0x11  }
0xca: {  	s0 =	sor.u32 s1, s0  }
0xcb: {  	s0 =	sadd.s32 $0x8F2B, s0  }
0xcc: {  	[sflag:s0] =	ssyncadd.remote.s32 $0x1  }
0xcd: {  	_ =	sfence.sel $0xFFFF  }
0xce: {  	[dreg:$0x0] =	wrdreg $0xFFFFFFFF;
	(pc) =	sbr.abs _section_cstart, $3  }
0xcf: {  	[dreg:$0x1] =	wrdreg $0xFFFFFFFF  }
0xd0: {  	_ =	task.clear_ibuf [dreg:s22], $0x2FFFF;
	_ =	strace $0x9FFFFFFF  }
0xd1: {  	(tm) =	ssettm $0x7FFFFFFF  }
tec
execute0_lowered:
.L_overlay_start_1:
0x0: {  	(tag) =	ssettag $0x1  }
0x1: {  	s1 =	srdreg.scid;
	s0 =	stileid.u32  }
0x2: {  	s2 =	rddreg [dreg:$0x0];
	s6 =	sand.u32 $0x1, s1;
	s30 =	sshll.u32 s0, $0x1  }
0x3: {  	s8 =	rddreg [dreg:$0x1];
	s7 =	sor.u32 s6, s30  }
0x4: {  	s3 =	simm.s32 $0x0;
	s1 =	rddreg [dreg:$0x2];
	s4 =	smul.u32 $0x60, s7  }
0x5: {  	[smem:$0x7FF] =	sst s3  }
0x6: {  	_ =	strace $0x8000004A;
	s10 =	ssub.s32 $0x2, s6;
	s4 =	sadd.s32 s4, s8  }
0x7: {  	s6 =	simm.s32 $0x300;
	s5 =	sadd.s32 $0x65200, s4;
	s4 =	simm.s32 $0x2  }
0x8: {  	[tilespmem:s3], [sflag:$0x2] =	stream.linear.gather [hbm4b:s5+s3], $0x300, $0x38;
	[tilespmem:$0x18300] =	vst v63  }
0x9: {  	s9 =	smul.u32 $0x3000, s7;
	s11 =	sshrl.u32 s10, $0x1;
	_ =	swait.ge [sflag:s4], $0x300  }
0xa: {  	s7 =	simm.s32 $0x1;
	s31 =	ssub.s32 s10, s11;
	[sflag:s4] =	ssyncset.done $0x0  }
0xb: {  	s8 =	sadd.s32 s9, s8;
	s9 =	smax.u32 s31, $0x1;
	[sflag:s4] =	ssyncadd.s32 $0xFFFFFD00  }
0xc: {  	[tilespmem:s6], [sflag:$0x1] =	stream.indirect.gather [hbm4b:s2+s6], $0x80, s3, s6, $0xb8;
	[tilespmem:$0x18300] =	vst v63  }
0xd: {  	p0 =	sne.s32 s9, $0x1;
	_ =	swait.ge [sflag:s7], $0x18000  }
.Ltmp0:
0xe: {  	[sflag:s7] =	ssyncset.done $0x0;
	(pc) =	sbr.rel @!p0 .LBB2_2-.Ltmp0, $4  }
0xf: {  	s8 =	sadd.s32 $0x65E00, s8;
	[sflag:s7] =	ssyncadd.s32 $0xFFFE8000  }
0x10: {  	[hbm4b:s8+s3] =	stream.linear.scatter [tilespmem:s6], [sflag:$0x2], $0x18000, $0x38;
	[tilespmem:$0x18300] =	vst v63  }
0x11: {  	_ =	swait.ge [sflag:s4], $0x18000  }
0x12: {  	s9 =	sadd.s32 $0xFFFFFFFF, s9;
	[sflag:s4] =	ssyncset.done $0x0  }
.LBB2_1:
0x13: {  	p0 =	sne.s32 s9, $0x1;
	s9 =	sadd.s32 $0xFFFFFFFF, s9;
	[sflag:s4] =	ssyncadd.s32 $0xFFFE8000  }
0x14: {  	[tilespmem:s3], [sflag:$0x2] =	stream.linear.gather [hbm4b:s5+s3], $0x300, $0x38;
	[tilespmem:$0x18300] =	vst v63  }
0x15: {  	_ =	swait.ge [sflag:s4], $0x300  }
0x16: {  	[sflag:s4] =	ssyncset.done $0x0  }
0x17: {  	[sflag:s4] =	ssyncadd.s32 $0xFFFFFD00  }
0x18: {  	[tilespmem:s6], [sflag:$0x1] =	stream.indirect.gather [hbm4b:s2+s6], $0x80, s3, s6, $0xb8;
	[tilespmem:$0x18300] =	vst v63  }
0x19: {  	_ =	swait.ge [sflag:s7], $0x18000  }
.Ltmp1:
0x1a: {  	[sflag:s7] =	ssyncset.done $0x0;
	(pc) =	sbr.rel @p0 .LBB2_1-.Ltmp1, $4  }
0x1b: {  	[sflag:s7] =	ssyncadd.s32 $0xFFFE8000  }
0x1c: {  	[hbm4b:s8+s3] =	stream.linear.scatter [tilespmem:s6], [sflag:$0x2], $0x18000, $0x38;
	[tilespmem:$0x18300] =	vst v63  }
0x1d: {  	_ =	swait.ge [sflag:s4], $0x18000  }
0x1e: {  	[sflag:s4] =	ssyncset.done $0x0  }
.LBB2_2:
0x1f: {  	[sflag:s4] =	ssyncadd.s32 $0xFFFE8000  }
0x20: {  	_ =	sfence.sel $0x180000  }
0x21: {  	[bflag:$0x0] =	sbarrier.arrive $0xFFFF  }
0x22: {  	p0 =	sne.s32 s0, $0x0;
	_ =	strace $0x9000004A  }
0x23: {  	s0 =	sadd.s32 @!p0 $0x100000, s1;
	[bflag:$0x2] =	sbarrier.arrive $0xFFFF  }
0x24: {  	[sflag:s0] =	ssyncadd.tile.s32 @!p0 $0x1;
	_ =	shalt  }
.Lfunc_end2:
_tile_overlayer_lowered:
.L_overlay_start_2:
0x25: {  	(tag) =	ssettag $0x2  }
0x26: {  	s0 =	rddreg [dreg:$0x0];
	s2 =	stileid.u32  }
0x27: {  	s1 =	rddreg [dreg:$0x1];
	p0 =	sne.s32 s2, $0x0  }
0x28: {  	s3 =	rddreg [dreg:$0x2];
	[bflag:$0x3] =	sbarrier.arrive $0xFFFF;
	s2 =	simm.s32 @!p0 $0x1C02  }
0x29: {  	[timem:s3], [sflag:s2] =	dma.local @!p0 [hbm:s0], s1  }
0x2a: {  	s0 =	simm.s32 @!p0 $0x2  }
0x2b: {  	_ =	swait.ge @!p0 [sflag:s0], s1  }
0x2c: {  	s1 =	ssub.s32 @!p0 $0x0, s1;
	[sflag:s0] =	ssyncset.done @!p0 $0x0  }
0x2d: {  	[sflag:s0] =	ssyncadd.s32 @!p0 s1  }
0x2e: {  	[bflag:$0x3] =	sbarrier.arrive $0xFFFF  }
0x2f: {  	_ =	shalt  }

// kernel: _run.13.cloned.1.call-start
scs
__scs_entry_jumppad:
0x0: {  	(pc) =	sbr.rel $0x88, $3  }
0x1: {  	(tag) =	ssettag $0x0;
	lr =	simm.s32 $0x1  }
0x2: {  	[smem:$0x3F8E] =	sst lr;
	_ =	strace $0xD0000000  }
0x3: {  	_ = 	snop  }
0x4: {  	_ = 	snop  }
0x5: {  	_ = 	snop  }
0x6: {  	_ = 	snop  }
0x7: {  	_ = 	snop  }
__scs_overlays_trampoline_lowered:
0x8: {  	[smem:$0x3F9D] =	sst s0  }
0x9: {  	[smem:$0x3F9E] =	sst s1  }
0xa: {  	[smem:$0x3F9F] =	sst s2  }
0xb: {  	[smem:$0x3FA0] =	sst s3  }
0xc: {  	[smem:$0x3FA1] =	sst s4  }
0xd: {  	[smem:$0x3FA2] =	sst s5  }
0xe: {  	[smem:$0x3FA3] =	sst s6  }
0xf: {  	[smem:$0x3FA4] =	sst s7  }
0x10: {  	[smem:$0x3FA5] =	sst s8  }
0x11: {  	[smem:$0x3FA6] =	sst s9;
	s0 =	simm.s32 @!p0 $0x0  }
0x12: {  	s1 =	sld [smem:$0x3F8C];
	s0 =	simm.s32 @p0 $0x1  }
0x13: {  	[smem:$0x3FA7] =	sst s0;
	s0 =	simm.s32 @!p1 $0x0  }
0x14: {  	s2 =	sld [smem:$0x3F8B];
	s0 =	simm.s32 @p1 $0x1  }
0x15: {  	[smem:$0x3FA8] =	sst s0;
	s0 =	simm.s32 @!p2 $0x0  }
0x16: {  	s3 =	sld [smem:$0x3FDB];
	s0 =	simm.s32 @p2 $0x1  }
0x17: {  	s4 =	simm.s32 $0x1BF5;
	[smem:$0x3FAA] =	sst s0  }
0x18: {  	s0 =	sld [smem:$0x3F8D];
	_ =	swait.ge [sflag:s4], $0x0  }
0x19: {  	s7 =	sld [smem:$0x3F8E]  }
0x1a: {  	s8 =	sadd.s32 $0xFFFFE003, lr  }
0x1b: {  	s9 =	sadd.s32 $0xFFFFFEF7, lr;
	s5 =	simm.s32 $0xFFFFFFFF;
	p2 =	slt.u32 s8, $0xFFFFF086  }
0x1c: {  	p1 =	slt.u32 s9, $0xF7A;
	s5 =	simm.s32 @!p2 $0x0  }
0x1d: {  	s5 =	simm.s32 @p1 $0x1;
	p0 =	seq.s32 s7, s2  }
0x1e: {  	s7 =	smul.u32 @!p0 $0xF7A, s2;
	p2 =	seq.s32 @!p0 s5, $0x0  }
0x1f: {  	s9 =	smul.u32 $0xF7A, s1;
	s8 =	simm.s32 @!p0 $0x1BF5;
	p2 =	por !p2, p0  }
0x20: {  	[sflag:s8] =	ssyncset.s32 @!p0 $0xFFFFF086;
	s6 =	sadd.s32 @!p0 s3, s7;
	s7 =	simm.s32 @!p0 $0x108  }
0x21: {  	s3 =	sadd.s32 s3, s9;
	s6 =	sadd.s32 @!p0 $0x88, s6;
	s7 =	simm.s32 @p2 $0x1082  }
0x22: {  	[simem:s7], [sflag:s8] =	dma.local @!p0 [hbm:s6], $0xF7A  }
0x23: {  	s9 =	sor.u32 $0xD0000000, s2;
	s6 =	simm.s32 $0x108;
	_ =	swait.ge @!p0 [sflag:s8], $0x0  }
0x24: {  	s3 =	sadd.s32 $0x88, s3;
	s6 =	simm.s32 @!p1 $0x1082;
	[sflag:s4] =	ssyncset.s32 $0xFFFFF086  }
0x25: {  	[simem:s6], [sflag:s4] =	dma.local [hbm:s3], $0xF7A  }
0x26: {  	[smem:$0x3F8E] =	sst s1;
	(tag) =	ssettag s2;
	_ =	strace s9  }
0x27: {  	s1 =	sld [smem:$0x3F9E]  }
0x28: {  	s2 =	sld [smem:$0x3F9F]  }
0x29: {  	s4 =	sld [smem:$0x3FA1]  }
0x2a: {  	p0 =	seq.s32 s5, $0x0;
	s5 =	sld [smem:$0x3FA2]  }
0x2b: {  	s6 =	sld [smem:$0x3FA3]  }
0x2c: {  	s7 =	sld [smem:$0x3FA4]  }
0x2d: {  	s3 =	simm.s32 $0x108;
	s8 =	sld [smem:$0x3FA5]  }
0x2e: {  	s3 =	simm.s32 @!p0 $0x1082;
	s9 =	sld [smem:$0x3FA6]  }
0x2f: {  	lr =	sadd.s32 s0, s3;
	s0 =	sld [smem:$0x3F9D]  }
0x30: {  	s3 =	sld [smem:$0x3FA0]  }
0x31: {  	[smem:$0x3FA9] =	sst s10  }
0x32: {  	s10 =	sld [smem:$0x3FA7];
	_ =	sdelay $0x3  }
0x33: {  	p0 =	seq.s32 s10, $0x1;
	s10 =	sld [smem:$0x3FA9];
	_ =	sdelay $0x3  }
0x34: {  	[smem:$0x3FA9] =	sst s10  }
0x35: {  	s10 =	sld [smem:$0x3FA8];
	_ =	sdelay $0x3  }
0x36: {  	p1 =	seq.s32 s10, $0x1;
	s10 =	sld [smem:$0x3FA9];
	_ =	sdelay $0x3  }
0x37: {  	[smem:$0x3FA9] =	sst s10  }
0x38: {  	s10 =	sld [smem:$0x3FAA]  }
0x39: {  	_ = 	snop;
	(pc) =	sbr.ind lr, $3  }
0x3a: {  	_ = 	snop  }
0x3b: {  	_ = 	snop  }
0x3c: {  	p2 =	seq.s32 s10, $0x1;
	s10 =	sld [smem:$0x3FA9]  }
0x3d: {  	_ =	shalt  }
0x3e: {  	_ =	shalt  }
0x3f: {  	_ =	shalt  }
0x40: {  	_ =	shalt  }
0x41: {  	_ =	shalt  }
0x42: {  	_ =	shalt  }
0x43: {  	_ =	shalt  }
0x44: {  	_ =	shalt  }
0x45: {  	_ =	shalt  }
0x46: {  	_ =	shalt  }
0x47: {  	_ =	shalt  }
0x48: {  	_ =	shalt  }
0x49: {  	_ =	shalt  }
0x4a: {  	_ =	shalt  }
0x4b: {  	_ =	shalt  }
0x4c: {  	_ =	shalt  }
0x4d: {  	_ =	shalt  }
0x4e: {  	_ =	shalt  }
0x4f: {  	_ =	shalt  }
0x50: {  	_ =	shalt  }
0x51: {  	_ =	shalt  }
0x52: {  	_ =	shalt  }
0x53: {  	_ =	shalt  }
0x54: {  	_ =	shalt  }
0x55: {  	_ =	shalt  }
0x56: {  	_ =	shalt  }
0x57: {  	_ =	shalt  }
0x58: {  	_ =	shalt  }
0x59: {  	_ =	shalt  }
0x5a: {  	_ =	shalt  }
0x5b: {  	_ =	shalt  }
0x5c: {  	_ =	shalt  }
0x5d: {  	_ =	shalt  }
0x5e: {  	_ =	shalt  }
0x5f: {  	_ =	shalt  }
0x60: {  	_ =	shalt  }
0x61: {  	_ =	shalt  }
0x62: {  	_ =	shalt  }
0x63: {  	_ =	shalt  }
0x64: {  	_ =	shalt  }
0x65: {  	_ =	shalt  }
0x66: {  	_ =	shalt  }
0x67: {  	_ =	shalt  }
0x68: {  	_ =	shalt  }
0x69: {  	_ =	shalt  }
0x6a: {  	_ =	shalt  }
0x6b: {  	_ =	shalt  }
0x6c: {  	_ =	shalt  }
0x6d: {  	_ =	shalt  }
0x6e: {  	_ =	shalt  }
0x6f: {  	_ =	shalt  }
0x70: {  	_ =	shalt  }
0x71: {  	_ =	shalt  }
0x72: {  	_ =	shalt  }
0x73: {  	_ =	shalt  }
0x74: {  	_ =	shalt  }
0x75: {  	_ =	shalt  }
0x76: {  	_ =	shalt  }
0x77: {  	_ =	shalt  }
0x78: {  	_ =	shalt  }
0x79: {  	_ =	shalt  }
0x7a: {  	_ =	shalt  }
0x7b: {  	_ =	shalt  }
0x7c: {  	_ =	shalt  }
0x7d: {  	_ =	shalt  }
0x7e: {  	_ =	shalt  }
0x7f: {  	_ =	shalt  }
0x80: {  	_ =	shalt  }
0x81: {  	_ =	shalt  }
0x82: {  	_ =	shalt  }
0x83: {  	_ =	shalt  }
0x84: {  	_ =	shalt  }
0x85: {  	_ =	shalt  }
0x86: {  	_ =	shalt  }
0x87: {  	_ =	shalt  }
.Lfunc_end0:
.L_simem_size_0:
called_computation.1_lowered:
.L_overlay_start_0:
0x88: {  	s2 =	sld [smem:$0x3FD9]  }
0x89: {  	s3 =	sld [smem:$0x3FFE];
	_ =	sdelay $0x1  }
0x8a: {  	s1 =	srdreg.scid  }
0x8b: {  	s0 =	sand.u32 $0x1, s1  }
0x8c: {  	s17 =	sshll.u32 s0, $0xA;
	s2 =	sadd.s32 s3, s2  }
0x8d: {  	s2 =	sadd.s32 s2, s17  }
0x8e: {  	[smem:$0x3FB5] =	sst s2  }
0x8f: {  	_ = 	snop  }
0x90: {  	s2 =	sld [smem:$0x3FC6];
	(tm) =	ssettm $0x1  }
0x91: {  	s18 =	sld [smem:$0x3FFB];
	_ =	sdelay $0x3  }
0x92: {  	_ =	strace s18  }
0x93: {  	s3 =	sld [smem:$0x3FFC];
	_ =	sdelay $0x3  }
0x94: {  	_ =	strace s3  }
0x95: {  	s3 =	sld [smem:$0x3FFD];
	_ =	sdelay $0x3  }
0x96: {  	_ =	strace s3  }
0x97: {  	_ =	strace $0x8FFFFFFF  }
0x98: {  	s19 =	sld [smem:$0x3FDB];
	_ =	sdelay $0x1  }
0x99: {  	s4 =	simm.s32 $_scs_section_size  }
0x9a: {  	s5 =	simm.s32 $_size__tile_overlayer_lowered;
	s6 =	simm.s32 $_tile_overlayer_lowered  }
0x9b: {  	s22 =	simm.s32 $0x1BFF;
	s21 =	sshll.u32 s6, $0x1;
	s3 =	sadd.s32 s4, s19  }
0x9c: {  	s7 =	simm.s32 $0x0;
	s20 =	sshll.u32 s5, $0x1;
	s5 =	sadd.s32 s21, s3  }
0x9d: {  	[timem:s7], [sflag:s22] =	dma.local [hbm:s5], s20  }
0x9e: {  	_ =	swait.ge [sflag:s22], s20  }
0x9f: {  	s4 =	ssub.s32 $0x0, s20;
	[sflag:s22] =	ssyncset.done $0x0  }
0xa0: {  	[sflag:s22] =	ssyncadd.s32 s4;
	_ =	sdelay $0x1  }
0xa1: {  	s23 =	simm.s32 $0x1B8B  }
0xa2: {  	_ =	swait.ge [sflag:s23], $0x1  }
0xa3: {  	[sflag:s23] =	ssyncset.done $0x0  }
0xa4: {  	s25 =	simm.s32 $0x1B8E;
	s24 =	sld [smem:$0x3FFE];
	[sflag:s23] =	ssyncadd.s32 $0xFFFFFFFF  }
0xa5: {  	s26 =	simm.s32 $execute0_lowered;
	[smem:$0x3FD2] =	sst s25  }
0xa6: {  	s5 =	sshll.u32 s26, $0x1;
	_ =	strace $0x80000046;
	[dreg:$0x1] =	wrdreg $0xFFFFFFFF  }
0xa7: {  	s28 =	simm.s32 $_size_execute0_lowered;
	s3 =	sadd.s32 s3, s5;
	[dreg:$0x0] =	wrdreg $0x0  }
0xa8: {  	s5 =	sshll.u32 s28, $0x1;
	[dreg:$0x2] =	wrdreg s3  }
0xa9: {  	[dreg:$0x3] =	wrdreg s5  }
0xaa: {  	[dreg:$0x4] =	wrdreg $0xC0  }
0xab: {  	_ =	task [dreg:s7], $0x5FFFF  }
0xac: {  	[dreg:$0x1] =	wrdreg $0xFFFFFFFF  }
0xad: {  	[dreg:$0x0] =	wrdreg $0x60  }
0xae: {  	[dreg:$0x2] =	wrdreg s2  }
0xaf: {  	[dreg:$0x3] =	wrdreg s24  }
0xb0: {  	[dreg:$0x4] =	wrdreg $0xA  }
0xb1: {  	_ =	task.clear_ibuf [dreg:s7], $0x5FFFF;
	_ =	strace $0x90000046  }
0xb2: {  	s29 =	simm.s32 $0xA;
	_ =	strace $0x80000048  }
0xb3: {  	_ =	swait.ge [sflag:s29], $0x1  }
0xb4: {  	[sflag:s29] =	ssyncadd.s32 $0xFFFFFFFF  }
0xb5: {  	_ =	strace $0x90000048  }
0xb6: {  	_ =	sfence  }
0xb7: {  	s30 =	sld [smem:$0x0];
	_ =	sdelay $0x2  }
0xb8: {  	s31 =	sshll.u32 s1, $0xD;
	s1 =	sshrl.u32 s1, $0x2  }
0xb9: {  	s3 =	sand.u32 $0x4000, s31;
	s1 =	sadd.s32 s1, s30  }
0xba: {  	s0 =	sor.u32 s3, s0;
	s1 =	sshll.u32 s1, $0x11  }
0xbb: {  	s0 =	sor.u32 s1, s0  }
0xbc: {  	s0 =	sadd.s32 $0x8F2B, s0  }
0xbd: {  	[sflag:s0] =	ssyncadd.remote.s32 $0x1  }
0xbe: {  	_ =	sfence.sel $0xFFFF  }
0xbf: {  	[dreg:$0x0] =	wrdreg $0xFFFFFFFF;
	(pc) =	sbr.abs _section_cstart, $3  }
0xc0: {  	[dreg:$0x1] =	wrdreg $0xFFFFFFFF  }
0xc1: {  	_ =	task.clear_ibuf [dreg:s7], $0x2FFFF;
	_ =	strace $0x9FFFFFFF  }
0xc2: {  	(tm) =	ssettm $0x7FFFFFFF  }
0xc3: {  	_ =	shalt  }
tec
execute0_lowered:
.L_overlay_start_1:
0x0: {  	(tag) =	ssettag $0x1  }
0x1: {  	s1 =	srdreg.scid;
	s0 =	stileid.u32  }
0x2: {  	s2 =	rddreg [dreg:$0x0];
	s6 =	sand.u32 $0x1, s1;
	s30 =	sshll.u32 s0, $0x1  }
0x3: {  	s8 =	rddreg [dreg:$0x1];
	s7 =	sor.u32 s6, s30  }
0x4: {  	s3 =	simm.s32 $0x0;
	s1 =	rddreg [dreg:$0x2];
	s4 =	smul.u32 $0x60, s7  }
0x5: {  	[smem:$0x7FF] =	sst s3  }
0x6: {  	_ =	strace $0x80000047;
	s10 =	ssub.s32 $0x2, s6;
	s4 =	sadd.s32 s4, s8  }
0x7: {  	s6 =	simm.s32 $0x300;
	s5 =	sadd.s32 $0x4600, s4;
	s4 =	simm.s32 $0x2  }
0x8: {  	[tilespmem:s3], [sflag:$0x2] =	stream.linear.gather [hbm4b:s5+s3], $0x300, $0x38;
	[tilespmem:$0x18300] =	vst v63  }
0x9: {  	s9 =	smul.u32 $0x3000, s7;
	s11 =	sshrl.u32 s10, $0x1;
	_ =	swait.ge [sflag:s4], $0x300  }
0xa: {  	s7 =	simm.s32 $0x1;
	s31 =	ssub.s32 s10, s11;
	[sflag:s4] =	ssyncset.done $0x0  }
0xb: {  	s8 =	sadd.s32 s9, s8;
	s9 =	smax.u32 s31, $0x1;
	[sflag:s4] =	ssyncadd.s32 $0xFFFFFD00  }
0xc: {  	[tilespmem:s6], [sflag:$0x1] =	stream.indirect.gather [hbm4b:s2+s6], $0x80, s3, s6, $0xb8;
	[tilespmem:$0x18300] =	vst v63  }
0xd: {  	p0 =	sne.s32 s9, $0x1;
	_ =	swait.ge [sflag:s7], $0x18000  }
.Ltmp0:
0xe: {  	[sflag:s7] =	ssyncset.done $0x0;
	(pc) =	sbr.rel @!p0 .LBB2_2-.Ltmp0, $4  }
0xf: {  	s8 =	sadd.s32 $0x5200, s8;
	[sflag:s7] =	ssyncadd.s32 $0xFFFE8000  }
0x10: {  	[hbm4b:s8+s3] =	stream.linear.scatter [tilespmem:s6], [sflag:$0x2], $0x18000, $0x38;
	[tilespmem:$0x18300] =	vst v63  }
0x11: {  	_ =	swait.ge [sflag:s4], $0x18000  }
0x12: {  	s9 =	sadd.s32 $0xFFFFFFFF, s9;
	[sflag:s4] =	ssyncset.done $0x0  }
.LBB2_1:
0x13: {  	p0 =	sne.s32 s9, $0x1;
	s9 =	sadd.s32 $0xFFFFFFFF, s9;
	[sflag:s4] =	ssyncadd.s32 $0xFFFE8000  }
0x14: {  	[tilespmem:s3], [sflag:$0x2] =	stream.linear.gather [hbm4b:s5+s3], $0x300, $0x38;
	[tilespmem:$0x18300] =	vst v63  }
0x15: {  	_ =	swait.ge [sflag:s4], $0x300  }
0x16: {  	[sflag:s4] =	ssyncset.done $0x0  }
0x17: {  	[sflag:s4] =	ssyncadd.s32 $0xFFFFFD00  }
0x18: {  	[tilespmem:s6], [sflag:$0x1] =	stream.indirect.gather [hbm4b:s2+s6], $0x80, s3, s6, $0xb8;
	[tilespmem:$0x18300] =	vst v63  }
0x19: {  	_ =	swait.ge [sflag:s7], $0x18000  }
.Ltmp1:
0x1a: {  	[sflag:s7] =	ssyncset.done $0x0;
	(pc) =	sbr.rel @p0 .LBB2_1-.Ltmp1, $4  }
0x1b: {  	[sflag:s7] =	ssyncadd.s32 $0xFFFE8000  }
0x1c: {  	[hbm4b:s8+s3] =	stream.linear.scatter [tilespmem:s6], [sflag:$0x2], $0x18000, $0x38;
	[tilespmem:$0x18300] =	vst v63  }
0x1d: {  	_ =	swait.ge [sflag:s4], $0x18000  }
0x1e: {  	[sflag:s4] =	ssyncset.done $0x0  }
.LBB2_2:
0x1f: {  	[sflag:s4] =	ssyncadd.s32 $0xFFFE8000  }
0x20: {  	_ =	sfence.sel $0x180000  }
0x21: {  	[bflag:$0x0] =	sbarrier.arrive $0xFFFF  }
0x22: {  	p0 =	sne.s32 s0, $0x0;
	_ =	strace $0x90000047  }
0x23: {  	s0 =	sadd.s32 @!p0 $0x100000, s1;
	[bflag:$0x2] =	sbarrier.arrive $0xFFFF  }
0x24: {  	[sflag:s0] =	ssyncadd.tile.s32 @!p0 $0x1;
	_ =	shalt  }
.Lfunc_end2:
_tile_overlayer_lowered:
.L_overlay_start_2:
0x25: {  	(tag) =	ssettag $0x2  }
0x26: {  	s0 =	rddreg [dreg:$0x0];
	s2 =	stileid.u32  }
0x27: {  	s1 =	rddreg [dreg:$0x1];
	p0 =	sne.s32 s2, $0x0  }
0x28: {  	s3 =	rddreg [dreg:$0x2];
	[bflag:$0x3] =	sbarrier.arrive $0xFFFF;
	s2 =	simm.s32 @!p0 $0x1C02  }
0x29: {  	[timem:s3], [sflag:s2] =	dma.local @!p0 [hbm:s0], s1  }
0x2a: {  	s0 =	simm.s32 @!p0 $0x2  }
0x2b: {  	_ =	swait.ge @!p0 [sflag:s0], s1  }
0x2c: {  	s1 =	ssub.s32 @!p0 $0x0, s1;
	[sflag:s0] =	ssyncset.done @!p0 $0x0  }
0x2d: {  	[sflag:s0] =	ssyncadd.s32 @!p0 s1  }
0x2e: {  	[bflag:$0x3] =	sbarrier.arrive $0xFFFF  }
0x2f: {  	_ =	shalt  }

// kernel: _run.16.cloned.1.call-start
scs
__scs_entry_jumppad:
0x0: {  	(pc) =	sbr.rel $0x88, $3  }
0x1: {  	(tag) =	ssettag $0x0;
	lr =	simm.s32 $0x1  }
0x2: {  	[smem:$0x3F8E] =	sst lr;
	_ =	strace $0xD0000000  }
0x3: {  	_ = 	snop  }
0x4: {  	_ = 	snop  }
0x5: {  	_ = 	snop  }
0x6: {  	_ = 	snop  }
0x7: {  	_ = 	snop  }
__scs_overlays_trampoline_lowered:
0x8: {  	[smem:$0x3F9D] =	sst s0  }
0x9: {  	[smem:$0x3F9E] =	sst s1  }
0xa: {  	[smem:$0x3F9F] =	sst s2  }
0xb: {  	[smem:$0x3FA0] =	sst s3  }
0xc: {  	[smem:$0x3FA1] =	sst s4  }
0xd: {  	[smem:$0x3FA2] =	sst s5  }
0xe: {  	[smem:$0x3FA3] =	sst s6  }
0xf: {  	[smem:$0x3FA4] =	sst s7  }
0x10: {  	[smem:$0x3FA5] =	sst s8  }
0x11: {  	[smem:$0x3FA6] =	sst s9;
	s0 =	simm.s32 @!p0 $0x0  }
0x12: {  	s1 =	sld [smem:$0x3F8C];
	s0 =	simm.s32 @p0 $0x1  }
0x13: {  	[smem:$0x3FA7] =	sst s0;
	s0 =	simm.s32 @!p1 $0x0  }
0x14: {  	s2 =	sld [smem:$0x3F8B];
	s0 =	simm.s32 @p1 $0x1  }
0x15: {  	[smem:$0x3FA8] =	sst s0;
	s0 =	simm.s32 @!p2 $0x0  }
0x16: {  	s3 =	sld [smem:$0x3FDB];
	s0 =	simm.s32 @p2 $0x1  }
0x17: {  	s4 =	simm.s32 $0x1BF5;
	[smem:$0x3FAA] =	sst s0  }
0x18: {  	s0 =	sld [smem:$0x3F8D];
	_ =	swait.ge [sflag:s4], $0x0  }
0x19: {  	s7 =	sld [smem:$0x3F8E]  }
0x1a: {  	s8 =	sadd.s32 $0xFFFFE003, lr  }
0x1b: {  	s9 =	sadd.s32 $0xFFFFFEF7, lr;
	s5 =	simm.s32 $0xFFFFFFFF;
	p2 =	slt.u32 s8, $0xFFFFF086  }
0x1c: {  	p1 =	slt.u32 s9, $0xF7A;
	s5 =	simm.s32 @!p2 $0x0  }
0x1d: {  	s5 =	simm.s32 @p1 $0x1;
	p0 =	seq.s32 s7, s2  }
0x1e: {  	s7 =	smul.u32 @!p0 $0xF7A, s2;
	p2 =	seq.s32 @!p0 s5, $0x0  }
0x1f: {  	s9 =	smul.u32 $0xF7A, s1;
	s8 =	simm.s32 @!p0 $0x1BF5;
	p2 =	por !p2, p0  }
0x20: {  	[sflag:s8] =	ssyncset.s32 @!p0 $0xFFFFF086;
	s6 =	sadd.s32 @!p0 s3, s7;
	s7 =	simm.s32 @!p0 $0x108  }
0x21: {  	s3 =	sadd.s32 s3, s9;
	s6 =	sadd.s32 @!p0 $0x88, s6;
	s7 =	simm.s32 @p2 $0x1082  }
0x22: {  	[simem:s7], [sflag:s8] =	dma.local @!p0 [hbm:s6], $0xF7A  }
0x23: {  	s9 =	sor.u32 $0xD0000000, s2;
	s6 =	simm.s32 $0x108;
	_ =	swait.ge @!p0 [sflag:s8], $0x0  }
0x24: {  	s3 =	sadd.s32 $0x88, s3;
	s6 =	simm.s32 @!p1 $0x1082;
	[sflag:s4] =	ssyncset.s32 $0xFFFFF086  }
0x25: {  	[simem:s6], [sflag:s4] =	dma.local [hbm:s3], $0xF7A  }
0x26: {  	[smem:$0x3F8E] =	sst s1;
	(tag) =	ssettag s2;
	_ =	strace s9  }
0x27: {  	s1 =	sld [smem:$0x3F9E]  }
0x28: {  	s2 =	sld [smem:$0x3F9F]  }
0x29: {  	s4 =	sld [smem:$0x3FA1]  }
0x2a: {  	p0 =	seq.s32 s5, $0x0;
	s5 =	sld [smem:$0x3FA2]  }
0x2b: {  	s6 =	sld [smem:$0x3FA3]  }
0x2c: {  	s7 =	sld [smem:$0x3FA4]  }
0x2d: {  	s3 =	simm.s32 $0x108;
	s8 =	sld [smem:$0x3FA5]  }
0x2e: {  	s3 =	simm.s32 @!p0 $0x1082;
	s9 =	sld [smem:$0x3FA6]  }
0x2f: {  	lr =	sadd.s32 s0, s3;
	s0 =	sld [smem:$0x3F9D]  }
0x30: {  	s3 =	sld [smem:$0x3FA0]  }
0x31: {  	[smem:$0x3FA9] =	sst s10  }
0x32: {  	s10 =	sld [smem:$0x3FA7];
	_ =	sdelay $0x3  }
0x33: {  	p0 =	seq.s32 s10, $0x1;
	s10 =	sld [smem:$0x3FA9];
	_ =	sdelay $0x3  }
0x34: {  	[smem:$0x3FA9] =	sst s10  }
0x35: {  	s10 =	sld [smem:$0x3FA8];
	_ =	sdelay $0x3  }
0x36: {  	p1 =	seq.s32 s10, $0x1;
	s10 =	sld [smem:$0x3FA9];
	_ =	sdelay $0x3  }
0x37: {  	[smem:$0x3FA9] =	sst s10  }
0x38: {  	s10 =	sld [smem:$0x3FAA]  }
0x39: {  	_ = 	snop;
	(pc) =	sbr.ind lr, $3  }
0x3a: {  	_ = 	snop  }
0x3b: {  	_ = 	snop  }
0x3c: {  	p2 =	seq.s32 s10, $0x1;
	s10 =	sld [smem:$0x3FA9]  }
0x3d: {  	_ =	shalt  }
0x3e: {  	_ =	shalt  }
0x3f: {  	_ =	shalt  }
0x40: {  	_ =	shalt  }
0x41: {  	_ =	shalt  }
0x42: {  	_ =	shalt  }
0x43: {  	_ =	shalt  }
0x44: {  	_ =	shalt  }
0x45: {  	_ =	shalt  }
0x46: {  	_ =	shalt  }
0x47: {  	_ =	shalt  }
0x48: {  	_ =	shalt  }
0x49: {  	_ =	shalt  }
0x4a: {  	_ =	shalt  }
0x4b: {  	_ =	shalt  }
0x4c: {  	_ =	shalt  }
0x4d: {  	_ =	shalt  }
0x4e: {  	_ =	shalt  }
0x4f: {  	_ =	shalt  }
0x50: {  	_ =	shalt  }
0x51: {  	_ =	shalt  }
0x52: {  	_ =	shalt  }
0x53: {  	_ =	shalt  }
0x54: {  	_ =	shalt  }
0x55: {  	_ =	shalt  }
0x56: {  	_ =	shalt  }
0x57: {  	_ =	shalt  }
0x58: {  	_ =	shalt  }
0x59: {  	_ =	shalt  }
0x5a: {  	_ =	shalt  }
0x5b: {  	_ =	shalt  }
0x5c: {  	_ =	shalt  }
0x5d: {  	_ =	shalt  }
0x5e: {  	_ =	shalt  }
0x5f: {  	_ =	shalt  }
0x60: {  	_ =	shalt  }
0x61: {  	_ =	shalt  }
0x62: {  	_ =	shalt  }
0x63: {  	_ =	shalt  }
0x64: {  	_ =	shalt  }
0x65: {  	_ =	shalt  }
0x66: {  	_ =	shalt  }
0x67: {  	_ =	shalt  }
0x68: {  	_ =	shalt  }
0x69: {  	_ =	shalt  }
0x6a: {  	_ =	shalt  }
0x6b: {  	_ =	shalt  }
0x6c: {  	_ =	shalt  }
0x6d: {  	_ =	shalt  }
0x6e: {  	_ =	shalt  }
0x6f: {  	_ =	shalt  }
0x70: {  	_ =	shalt  }
0x71: {  	_ =	shalt  }
0x72: {  	_ =	shalt  }
0x73: {  	_ =	shalt  }
0x74: {  	_ =	shalt  }
0x75: {  	_ =	shalt  }
0x76: {  	_ =	shalt  }
0x77: {  	_ =	shalt  }
0x78: {  	_ =	shalt  }
0x79: {  	_ =	shalt  }
0x7a: {  	_ =	shalt  }
0x7b: {  	_ =	shalt  }
0x7c: {  	_ =	shalt  }
0x7d: {  	_ =	shalt  }
0x7e: {  	_ =	shalt  }
0x7f: {  	_ =	shalt  }
0x80: {  	_ =	shalt  }
0x81: {  	_ =	shalt  }
0x82: {  	_ =	shalt  }
0x83: {  	_ =	shalt  }
0x84: {  	_ =	shalt  }
0x85: {  	_ =	shalt  }
0x86: {  	_ =	shalt  }
0x87: {  	_ =	shalt  }
.Lfunc_end0:
.L_simem_size_0:
called_computation.2_lowered:
.L_overlay_start_0:
0x88: {  	s2 =	sld [smem:$0x3FD9]  }
0x89: {  	s3 =	sld [smem:$0x3FFE];
	_ =	sdelay $0x1  }
0x8a: {  	s1 =	srdreg.scid  }
0x8b: {  	s0 =	sand.u32 $0x1, s1  }
0x8c: {  	s17 =	sshll.u32 s0, $0xA;
	s2 =	sadd.s32 s3, s2  }
0x8d: {  	s2 =	sadd.s32 s2, s17  }
0x8e: {  	[smem:$0x3FB5] =	sst s2  }
0x8f: {  	_ = 	snop  }
0x90: {  	s18 =	sld [smem:$0x3FC6];
	(tm) =	ssettm $0x1  }
0x91: {  	s19 =	sld [smem:$0x3FFB];
	_ =	sdelay $0x3  }
0x92: {  	_ =	strace s19  }
0x93: {  	s2 =	sld [smem:$0x3FFC];
	_ =	sdelay $0x3  }
0x94: {  	_ =	strace s2  }
0x95: {  	s2 =	sld [smem:$0x3FFD];
	_ =	sdelay $0x3  }
0x96: {  	_ =	strace s2  }
0x97: {  	_ =	strace $0x8FFFFFFF  }
0x98: {  	s20 =	sld [smem:$0x3FDB];
	_ =	sdelay $0x1  }
0x99: {  	s4 =	simm.s32 $_scs_section_size  }
0x9a: {  	s5 =	simm.s32 $_size__tile_overlayer_lowered;
	s6 =	simm.s32 $_tile_overlayer_lowered  }
0x9b: {  	s7 =	simm.s32 $0x1BFF;
	s21 =	sshll.u32 s6, $0x1;
	s4 =	sadd.s32 s4, s20  }
0x9c: {  	s22 =	simm.s32 $0x0;
	s5 =	sshll.u32 s5, $0x1;
	s6 =	sadd.s32 s21, s4  }
0x9d: {  	[timem:s22], [sflag:s7] =	dma.local [hbm:s6], s5  }
0x9e: {  	_ =	swait.ge [sflag:s7], s5  }
0x9f: {  	s5 =	ssub.s32 $0x0, s5;
	[sflag:s7] =	ssyncset.done $0x0  }
0xa0: {  	[sflag:s7] =	ssyncadd.s32 s5;
	_ =	sdelay $0x1  }
0xa1: {  	s23 =	simm.s32 $0x1B8B  }
0xa2: {  	_ =	swait.ge [sflag:s23], $0x1  }
0xa3: {  	[sflag:s23] =	ssyncset.done $0x0  }
0xa4: {  	[sflag:s23] =	ssyncadd.s32 $0xFFFFFFFF  }
0xa5: {  	s5 =	sld [smem:$0x0]  }
0xa6: {  	s6 =	sand.u32 $0xFFFFFFFE, s1  }
0xa7: {  	p0 =	sne.s32 s1, s6  }
0xa8: {  	s6 =	sshll.u32 @p0 s6, $0xE  }
0xa9: {  	s6 =	sadd.s32 @p0 $0x11B8D, s6;
	s7 =	sshll.u32 @p0 s5, $0x11  }
0xaa: {  	s6 =	sor.u32 @p0 s7, s6  }
0xab: {  	[sflag:s6] =	ssyncadd.remote.s32 @p0 $0x1;
	_ =	sdelay $0x1  }
0xac: {  	s6 =	simm.s32 @p0 $0x1B8D  }
0xad: {  	_ =	swait.eq @p0 [sflag:s6], $0x1  }
0xae: {  	[sflag:s6] =	ssyncadd.s32 @p0 $0xFFFFFFFF  }
0xaf: {  	s7 =	sshll.u32 @!p0 s1, $0xE  }
0xb0: {  	s7 =	sor.u32 @!p0 $0x4000, s7;
	s6 =	simm.s32 @!p0 $0x1B8D  }
0xb1: {  	s5 =	sshll.u32 @!p0 s5, $0x11;
	s7 =	sadd.s32 @!p0 $0x11B8D, s7;
	_ =	swait.eq @!p0 [sflag:s6], $0x1  }
0xb2: {  	s5 =	sor.u32 @!p0 s5, s7;
	[sflag:s6] =	ssyncadd.s32 @!p0 $0xFFFFFFFF  }
0xb3: {  	s25 =	simm.s32 $0x1B8E;
	s24 =	sld [smem:$0x3FFE];
	[sflag:s5] =	ssyncadd.remote.s32 @!p0 $0x1  }
0xb4: {  	s26 =	simm.s32 $execute0_lowered;
	[smem:$0x3FD2] =	sst s25  }
0xb5: {  	s6 =	sshll.u32 s26, $0x1;
	_ =	strace $0x8000004C;
	[dreg:$0x1] =	wrdreg $0xFFFFFFFF  }
0xb6: {  	s28 =	simm.s32 $_size_execute0_lowered;
	s4 =	sadd.s32 s4, s6;
	[dreg:$0x0] =	wrdreg $0x0  }
0xb7: {  	s6 =	sshll.u32 s28, $0x1;
	[dreg:$0x2] =	wrdreg s4  }
0xb8: {  	[dreg:$0x3] =	wrdreg s6  }
0xb9: {  	[dreg:$0x4] =	wrdreg $0xC0  }
0xba: {  	_ =	task [dreg:s22], $0x5FFFF  }
0xbb: {  	[dreg:$0x1] =	wrdreg $0xFFFFFFFF  }
0xbc: {  	[dreg:$0x0] =	wrdreg $0x60  }
0xbd: {  	[dreg:$0x2] =	wrdreg s18  }
0xbe: {  	[dreg:$0x3] =	wrdreg s24  }
0xbf: {  	[dreg:$0x4] =	wrdreg $0xB  }
0xc0: {  	_ =	task.clear_ibuf [dreg:s22], $0x5FFFF;
	_ =	strace $0x9000004C  }
0xc1: {  	s29 =	simm.s32 $0xB;
	_ =	strace $0x8000004E  }
0xc2: {  	_ =	swait.ge [sflag:s29], $0x1  }
0xc3: {  	[sflag:s29] =	ssyncadd.s32 $0xFFFFFFFF  }
0xc4: {  	_ =	strace $0x9000004E  }
0xc5: {  	_ =	sfence  }
0xc6: {  	s30 =	sld [smem:$0x0];
	_ =	sdelay $0x2  }
0xc7: {  	s31 =	sshll.u32 s1, $0xD;
	s1 =	sshrl.u32 s1, $0x2  }
0xc8: {  	s4 =	sand.u32 $0x4000, s31;
	s1 =	sadd.s32 s1, s30  }
0xc9: {  	s0 =	sor.u32 s4, s0;
	s1 =	sshll.u32 s1, $0x11  }
0xca: {  	s0 =	sor.u32 s1, s0  }
0xcb: {  	s0 =	sadd.s32 $0x8F2B, s0  }
0xcc: {  	[sflag:s0] =	ssyncadd.remote.s32 $0x1  }
0xcd: {  	_ =	sfence.sel $0xFFFF  }
0xce: {  	[dreg:$0x0] =	wrdreg $0xFFFFFFFF;
	(pc) =	sbr.abs _section_cstart, $3  }
0xcf: {  	[dreg:$0x1] =	wrdreg $0xFFFFFFFF  }
0xd0: {  	_ =	task.clear_ibuf [dreg:s22], $0x2FFFF;
	_ =	strace $0x9FFFFFFF  }
0xd1: {  	(tm) =	ssettm $0x7FFFFFFF  }
tec
execute0_lowered:
.L_overlay_start_1:
0x0: {  	(tag) =	ssettag $0x1  }
0x1: {  	s1 =	srdreg.scid;
	s0 =	stileid.u32  }
0x2: {  	s2 =	rddreg [dreg:$0x0];
	s6 =	sand.u32 $0x1, s1;
	s30 =	sshll.u32 s0, $0x1  }
0x3: {  	s8 =	rddreg [dreg:$0x1];
	s7 =	sor.u32 s6, s30  }
0x4: {  	s3 =	simm.s32 $0x0;
	s1 =	rddreg [dreg:$0x2];
	s4 =	smul.u32 $0x60, s7  }
0x5: {  	[smem:$0x7FF] =	sst s3  }
0x6: {  	_ =	strace $0x8000004D;
	s10 =	ssub.s32 $0x2, s6;
	s4 =	sadd.s32 s4, s8  }
0x7: {  	s6 =	simm.s32 $0x300;
	s5 =	sadd.s32 $0xC5E00, s4;
	s4 =	simm.s32 $0x2  }
0x8: {  	[tilespmem:s3], [sflag:$0x2] =	stream.linear.gather [hbm4b:s5+s3], $0x300, $0x38;
	[tilespmem:$0x18300] =	vst v63  }
0x9: {  	s9 =	smul.u32 $0x3000, s7;
	s11 =	sshrl.u32 s10, $0x1;
	_ =	swait.ge [sflag:s4], $0x300  }
0xa: {  	s7 =	simm.s32 $0x1;
	s31 =	ssub.s32 s10, s11;
	[sflag:s4] =	ssyncset.done $0x0  }
0xb: {  	s8 =	sadd.s32 s9, s8;
	s9 =	smax.u32 s31, $0x1;
	[sflag:s4] =	ssyncadd.s32 $0xFFFFFD00  }
0xc: {  	[tilespmem:s6], [sflag:$0x1] =	stream.indirect.gather [hbm4b:s2+s6], $0x80, s3, s6, $0xb8;
	[tilespmem:$0x18300] =	vst v63  }
0xd: {  	p0 =	sne.s32 s9, $0x1;
	_ =	swait.ge [sflag:s7], $0x18000  }
.Ltmp0:
0xe: {  	[sflag:s7] =	ssyncset.done $0x0;
	(pc) =	sbr.rel @!p0 .LBB2_2-.Ltmp0, $4  }
0xf: {  	s8 =	sadd.s32 $0xC6A00, s8;
	[sflag:s7] =	ssyncadd.s32 $0xFFFE8000  }
0x10: {  	[hbm4b:s8+s3] =	stream.linear.scatter [tilespmem:s6], [sflag:$0x2], $0x18000, $0x38;
	[tilespmem:$0x18300] =	vst v63  }
0x11: {  	_ =	swait.ge [sflag:s4], $0x18000  }
0x12: {  	s9 =	sadd.s32 $0xFFFFFFFF, s9;
	[sflag:s4] =	ssyncset.done $0x0  }
.LBB2_1:
0x13: {  	p0 =	sne.s32 s9, $0x1;
	s9 =	sadd.s32 $0xFFFFFFFF, s9;
	[sflag:s4] =	ssyncadd.s32 $0xFFFE8000  }
0x14: {  	[tilespmem:s3], [sflag:$0x2] =	stream.linear.gather [hbm4b:s5+s3], $0x300, $0x38;
	[tilespmem:$0x18300] =	vst v63  }
0x15: {  	_ =	swait.ge [sflag:s4], $0x300  }
0x16: {  	[sflag:s4] =	ssyncset.done $0x0  }
0x17: {  	[sflag:s4] =	ssyncadd.s32 $0xFFFFFD00  }
0x18: {  	[tilespmem:s6], [sflag:$0x1] =	stream.indirect.gather [hbm4b:s2+s6], $0x80, s3, s6, $0xb8;
	[tilespmem:$0x18300] =	vst v63  }
0x19: {  	_ =	swait.ge [sflag:s7], $0x18000  }
.Ltmp1:
0x1a: {  	[sflag:s7] =	ssyncset.done $0x0;
	(pc) =	sbr.rel @p0 .LBB2_1-.Ltmp1, $4  }
0x1b: {  	[sflag:s7] =	ssyncadd.s32 $0xFFFE8000  }
0x1c: {  	[hbm4b:s8+s3] =	stream.linear.scatter [tilespmem:s6], [sflag:$0x2], $0x18000, $0x38;
	[tilespmem:$0x18300] =	vst v63  }
0x1d: {  	_ =	swait.ge [sflag:s4], $0x18000  }
0x1e: {  	[sflag:s4] =	ssyncset.done $0x0  }
.LBB2_2:
0x1f: {  	[sflag:s4] =	ssyncadd.s32 $0xFFFE8000  }
0x20: {  	_ =	sfence.sel $0x180000  }
0x21: {  	[bflag:$0x0] =	sbarrier.arrive $0xFFFF  }
0x22: {  	p0 =	sne.s32 s0, $0x0;
	_ =	strace $0x9000004D  }
0x23: {  	s0 =	sadd.s32 @!p0 $0x100000, s1;
	[bflag:$0x2] =	sbarrier.arrive $0xFFFF  }
0x24: {  	[sflag:s0] =	ssyncadd.tile.s32 @!p0 $0x1;
	_ =	shalt  }
.Lfunc_end2:
_tile_overlayer_lowered:
.L_overlay_start_2:
0x25: {  	(tag) =	ssettag $0x2  }
0x26: {  	s0 =	rddreg [dreg:$0x0];
	s2 =	stileid.u32  }
0x27: {  	s1 =	rddreg [dreg:$0x1];
	p0 =	sne.s32 s2, $0x0  }
0x28: {  	s3 =	rddreg [dreg:$0x2];
	[bflag:$0x3] =	sbarrier.arrive $0xFFFF;
	s2 =	simm.s32 @!p0 $0x1C02  }
0x29: {  	[timem:s3], [sflag:s2] =	dma.local @!p0 [hbm:s0], s1  }
0x2a: {  	s0 =	simm.s32 @!p0 $0x2  }
0x2b: {  	_ =	swait.ge @!p0 [sflag:s0], s1  }
0x2c: {  	s1 =	ssub.s32 @!p0 $0x0, s1;
	[sflag:s0] =	ssyncset.done @!p0 $0x0  }
0x2d: {  	[sflag:s0] =	ssyncadd.s32 @!p0 s1  }
0x2e: {  	[bflag:$0x3] =	sbarrier.arrive $0xFFFF  }
0x2f: {  	_ =	shalt  }

// kernel: _run.19.cloned.1.call-start
scs
__scs_entry_jumppad:
0x0: {  	(pc) =	sbr.rel $0x88, $3  }
0x1: {  	(tag) =	ssettag $0x0;
	lr =	simm.s32 $0x1  }
0x2: {  	[smem:$0x3F8E] =	sst lr;
	_ =	strace $0xD0000000  }
0x3: {  	_ = 	snop  }
0x4: {  	_ = 	snop  }
0x5: {  	_ = 	snop  }
0x6: {  	_ = 	snop  }
0x7: {  	_ = 	snop  }
__scs_overlays_trampoline_lowered:
0x8: {  	[smem:$0x3F9D] =	sst s0  }
0x9: {  	[smem:$0x3F9E] =	sst s1  }
0xa: {  	[smem:$0x3F9F] =	sst s2  }
0xb: {  	[smem:$0x3FA0] =	sst s3  }
0xc: {  	[smem:$0x3FA1] =	sst s4  }
0xd: {  	[smem:$0x3FA2] =	sst s5  }
0xe: {  	[smem:$0x3FA3] =	sst s6  }
0xf: {  	[smem:$0x3FA4] =	sst s7  }
0x10: {  	[smem:$0x3FA5] =	sst s8  }
0x11: {  	[smem:$0x3FA6] =	sst s9;
	s0 =	simm.s32 @!p0 $0x0  }
0x12: {  	s1 =	sld [smem:$0x3F8C];
	s0 =	simm.s32 @p0 $0x1  }
0x13: {  	[smem:$0x3FA7] =	sst s0;
	s0 =	simm.s32 @!p1 $0x0  }
0x14: {  	s2 =	sld [smem:$0x3F8B];
	s0 =	simm.s32 @p1 $0x1  }
0x15: {  	[smem:$0x3FA8] =	sst s0;
	s0 =	simm.s32 @!p2 $0x0  }
0x16: {  	s3 =	sld [smem:$0x3FDB];
	s0 =	simm.s32 @p2 $0x1  }
0x17: {  	s4 =	simm.s32 $0x1BF5;
	[smem:$0x3FAA] =	sst s0  }
0x18: {  	s0 =	sld [smem:$0x3F8D];
	_ =	swait.ge [sflag:s4], $0x0  }
0x19: {  	s7 =	sld [smem:$0x3F8E]  }
0x1a: {  	s8 =	sadd.s32 $0xFFFFE003, lr  }
0x1b: {  	s9 =	sadd.s32 $0xFFFFFEF7, lr;
	s5 =	simm.s32 $0xFFFFFFFF;
	p2 =	slt.u32 s8, $0xFFFFF086  }
0x1c: {  	p1 =	slt.u32 s9, $0xF7A;
	s5 =	simm.s32 @!p2 $0x0  }
0x1d: {  	s5 =	simm.s32 @p1 $0x1;
	p0 =	seq.s32 s7, s2  }
0x1e: {  	s7 =	smul.u32 @!p0 $0xF7A, s2;
	p2 =	seq.s32 @!p0 s5, $0x0  }
0x1f: {  	s9 =	smul.u32 $0xF7A, s1;
	s8 =	simm.s32 @!p0 $0x1BF5;
	p2 =	por !p2, p0  }
0x20: {  	[sflag:s8] =	ssyncset.s32 @!p0 $0xFFFFF086;
	s6 =	sadd.s32 @!p0 s3, s7;
	s7 =	simm.s32 @!p0 $0x108  }
0x21: {  	s3 =	sadd.s32 s3, s9;
	s6 =	sadd.s32 @!p0 $0x88, s6;
	s7 =	simm.s32 @p2 $0x1082  }
0x22: {  	[simem:s7], [sflag:s8] =	dma.local @!p0 [hbm:s6], $0xF7A  }
0x23: {  	s9 =	sor.u32 $0xD0000000, s2;
	s6 =	simm.s32 $0x108;
	_ =	swait.ge @!p0 [sflag:s8], $0x0  }
0x24: {  	s3 =	sadd.s32 $0x88, s3;
	s6 =	simm.s32 @!p1 $0x1082;
	[sflag:s4] =	ssyncset.s32 $0xFFFFF086  }
0x25: {  	[simem:s6], [sflag:s4] =	dma.local [hbm:s3], $0xF7A  }
0x26: {  	[smem:$0x3F8E] =	sst s1;
	(tag) =	ssettag s2;
	_ =	strace s9  }
0x27: {  	s1 =	sld [smem:$0x3F9E]  }
0x28: {  	s2 =	sld [smem:$0x3F9F]  }
0x29: {  	s4 =	sld [smem:$0x3FA1]  }
0x2a: {  	p0 =	seq.s32 s5, $0x0;
	s5 =	sld [smem:$0x3FA2]  }
0x2b: {  	s6 =	sld [smem:$0x3FA3]  }
0x2c: {  	s7 =	sld [smem:$0x3FA4]  }
0x2d: {  	s3 =	simm.s32 $0x108;
	s8 =	sld [smem:$0x3FA5]  }
0x2e: {  	s3 =	simm.s32 @!p0 $0x1082;
	s9 =	sld [smem:$0x3FA6]  }
0x2f: {  	lr =	sadd.s32 s0, s3;
	s0 =	sld [smem:$0x3F9D]  }
0x30: {  	s3 =	sld [smem:$0x3FA0]  }
0x31: {  	[smem:$0x3FA9] =	sst s10  }
0x32: {  	s10 =	sld [smem:$0x3FA7];
	_ =	sdelay $0x3  }
0x33: {  	p0 =	seq.s32 s10, $0x1;
	s10 =	sld [smem:$0x3FA9];
	_ =	sdelay $0x3  }
0x34: {  	[smem:$0x3FA9] =	sst s10  }
0x35: {  	s10 =	sld [smem:$0x3FA8];
	_ =	sdelay $0x3  }
0x36: {  	p1 =	seq.s32 s10, $0x1;
	s10 =	sld [smem:$0x3FA9];
	_ =	sdelay $0x3  }
0x37: {  	[smem:$0x3FA9] =	sst s10  }
0x38: {  	s10 =	sld [smem:$0x3FAA]  }
0x39: {  	_ = 	snop;
	(pc) =	sbr.ind lr, $3  }
0x3a: {  	_ = 	snop  }
0x3b: {  	_ = 	snop  }
0x3c: {  	p2 =	seq.s32 s10, $0x1;
	s10 =	sld [smem:$0x3FA9]  }
0x3d: {  	_ =	shalt  }
0x3e: {  	_ =	shalt  }
0x3f: {  	_ =	shalt  }
0x40: {  	_ =	shalt  }
0x41: {  	_ =	shalt  }
0x42: {  	_ =	shalt  }
0x43: {  	_ =	shalt  }
0x44: {  	_ =	shalt  }
0x45: {  	_ =	shalt  }
0x46: {  	_ =	shalt  }
0x47: {  	_ =	shalt  }
0x48: {  	_ =	shalt  }
0x49: {  	_ =	shalt  }
0x4a: {  	_ =	shalt  }
0x4b: {  	_ =	shalt  }
0x4c: {  	_ =	shalt  }
0x4d: {  	_ =	shalt  }
0x4e: {  	_ =	shalt  }
0x4f: {  	_ =	shalt  }
0x50: {  	_ =	shalt  }
0x51: {  	_ =	shalt  }
0x52: {  	_ =	shalt  }
0x53: {  	_ =	shalt  }
0x54: {  	_ =	shalt  }
0x55: {  	_ =	shalt  }
0x56: {  	_ =	shalt  }
0x57: {  	_ =	shalt  }
0x58: {  	_ =	shalt  }
0x59: {  	_ =	shalt  }
0x5a: {  	_ =	shalt  }
0x5b: {  	_ =	shalt  }
0x5c: {  	_ =	shalt  }
0x5d: {  	_ =	shalt  }
0x5e: {  	_ =	shalt  }
0x5f: {  	_ =	shalt  }
0x60: {  	_ =	shalt  }
0x61: {  	_ =	shalt  }
0x62: {  	_ =	shalt  }
0x63: {  	_ =	shalt  }
0x64: {  	_ =	shalt  }
0x65: {  	_ =	shalt  }
0x66: {  	_ =	shalt  }
0x67: {  	_ =	shalt  }
0x68: {  	_ =	shalt  }
0x69: {  	_ =	shalt  }
0x6a: {  	_ =	shalt  }
0x6b: {  	_ =	shalt  }
0x6c: {  	_ =	shalt  }
0x6d: {  	_ =	shalt  }
0x6e: {  	_ =	shalt  }
0x6f: {  	_ =	shalt  }
0x70: {  	_ =	shalt  }
0x71: {  	_ =	shalt  }
0x72: {  	_ =	shalt  }
0x73: {  	_ =	shalt  }
0x74: {  	_ =	shalt  }
0x75: {  	_ =	shalt  }
0x76: {  	_ =	shalt  }
0x77: {  	_ =	shalt  }
0x78: {  	_ =	shalt  }
0x79: {  	_ =	shalt  }
0x7a: {  	_ =	shalt  }
0x7b: {  	_ =	shalt  }
0x7c: {  	_ =	shalt  }
0x7d: {  	_ =	shalt  }
0x7e: {  	_ =	shalt  }
0x7f: {  	_ =	shalt  }
0x80: {  	_ =	shalt  }
0x81: {  	_ =	shalt  }
0x82: {  	_ =	shalt  }
0x83: {  	_ =	shalt  }
0x84: {  	_ =	shalt  }
0x85: {  	_ =	shalt  }
0x86: {  	_ =	shalt  }
0x87: {  	_ =	shalt  }
.Lfunc_end0:
.L_simem_size_0:
called_computation.3_lowered:
.L_overlay_start_0:
0x88: {  	s2 =	sld [smem:$0x3FD9]  }
0x89: {  	s3 =	sld [smem:$0x3FFE];
	_ =	sdelay $0x1  }
0x8a: {  	s1 =	srdreg.scid  }
0x8b: {  	s0 =	sand.u32 $0x1, s1  }
0x8c: {  	s16 =	sshll.u32 s0, $0xA;
	s2 =	sadd.s32 s3, s2  }
0x8d: {  	s2 =	sadd.s32 s2, s16  }
0x8e: {  	[smem:$0x3FB5] =	sst s2  }
0x8f: {  	_ = 	snop  }
0x90: {  	(tm) =	ssettm $0x1  }
0x91: {  	s17 =	sld [smem:$0x3FFB];
	_ =	sdelay $0x3  }
0x92: {  	_ =	strace s17  }
0x93: {  	s2 =	sld [smem:$0x3FFC];
	_ =	sdelay $0x3  }
0x94: {  	_ =	strace s2  }
0x95: {  	s2 =	sld [smem:$0x3FFD];
	_ =	sdelay $0x3  }
0x96: {  	_ =	strace s2  }
0x97: {  	_ =	strace $0x8FFFFFFF  }
0x98: {  	s18 =	sld [smem:$0x3FDB];
	_ =	sdelay $0x1  }
0x99: {  	s19 =	simm.s32 $_scs_section_size  }
0x9a: {  	s4 =	simm.s32 $_size__tile_overlayer_lowered;
	s5 =	simm.s32 $_tile_overlayer_lowered  }
0x9b: {  	s22 =	simm.s32 $0x1BFF;
	s21 =	sshll.u32 s5, $0x1;
	s2 =	sadd.s32 s19, s18  }
0x9c: {  	s6 =	simm.s32 $0x0;
	s20 =	sshll.u32 s4, $0x1;
	s4 =	sadd.s32 s21, s2  }
0x9d: {  	[timem:s6], [sflag:s22] =	dma.local [hbm:s4], s20  }
0x9e: {  	_ =	swait.ge [sflag:s22], s20  }
0x9f: {  	s3 =	ssub.s32 $0x0, s20;
	[sflag:s22] =	ssyncset.done $0x0  }
0xa0: {  	[sflag:s22] =	ssyncadd.s32 s3;
	_ =	sdelay $0x1  }
0xa1: {  	s23 =	simm.s32 $0x1B8B  }
0xa2: {  	_ =	swait.ge [sflag:s23], $0x1  }
0xa3: {  	[sflag:s23] =	ssyncset.done $0x0  }
0xa4: {  	s25 =	simm.s32 $0x1B8E;
	s24 =	sld [smem:$0x3FFE];
	[sflag:s23] =	ssyncadd.s32 $0xFFFFFFFF  }
0xa5: {  	s26 =	simm.s32 $execute0_lowered;
	[smem:$0x3FD2] =	sst s25  }
0xa6: {  	s4 =	sshll.u32 s26, $0x1;
	_ =	strace $0x8000004F;
	[dreg:$0x1] =	wrdreg $0xFFFFFFFF  }
0xa7: {  	s28 =	simm.s32 $_size_execute0_lowered;
	s2 =	sadd.s32 s2, s4;
	[dreg:$0x0] =	wrdreg $0x0  }
0xa8: {  	s4 =	sshll.u32 s28, $0x1;
	[dreg:$0x2] =	wrdreg s2  }
0xa9: {  	[dreg:$0x3] =	wrdreg s4  }
0xaa: {  	[dreg:$0x4] =	wrdreg $0xC0  }
0xab: {  	_ =	task [dreg:s6], $0x5FFFF  }
0xac: {  	[dreg:$0x1] =	wrdreg $0xFFFFFFFF  }
0xad: {  	[dreg:$0x0] =	wrdreg $0x60  }
0xae: {  	[dreg:$0x2] =	wrdreg s24  }
0xaf: {  	[dreg:$0x3] =	wrdreg $0x9  }
0xb0: {  	_ =	task.clear_ibuf [dreg:s6], $0x4FFFF;
	_ =	strace $0x9000004F  }
0xb1: {  	s29 =	simm.s32 $0x9;
	_ =	strace $0x80000051  }
0xb2: {  	_ =	swait.ge [sflag:s29], $0x1  }
0xb3: {  	[sflag:s29] =	ssyncadd.s32 $0xFFFFFFFF  }
0xb4: {  	_ =	strace $0x90000051  }
0xb5: {  	_ =	sfence  }
0xb6: {  	s30 =	sld [smem:$0x0];
	_ =	sdelay $0x2  }
0xb7: {  	s31 =	sshll.u32 s1, $0xD;
	s1 =	sshrl.u32 s1, $0x2  }
0xb8: {  	s3 =	sand.u32 $0x4000, s31;
	s1 =	sadd.s32 s1, s30  }
0xb9: {  	s0 =	sor.u32 s3, s0;
	s1 =	sshll.u32 s1, $0x11  }
0xba: {  	s0 =	sor.u32 s1, s0  }
0xbb: {  	s0 =	sadd.s32 $0x8F2B, s0  }
0xbc: {  	[sflag:s0] =	ssyncadd.remote.s32 $0x1  }
0xbd: {  	_ =	sfence.sel $0xFFFF  }
0xbe: {  	[dreg:$0x0] =	wrdreg $0xFFFFFFFF;
	(pc) =	sbr.abs _section_cstart, $3  }
0xbf: {  	[dreg:$0x1] =	wrdreg $0xFFFFFFFF  }
0xc0: {  	_ =	task.clear_ibuf [dreg:s6], $0x2FFFF;
	_ =	strace $0x9FFFFFFF  }
0xc1: {  	(tm) =	ssettm $0x7FFFFFFF  }
tec
execute0_lowered:
.L_overlay_start_1:
0x0: {  	(tag) =	ssettag $0x1  }
0x1: {  	s1 =	srdreg.scid;
	s0 =	stileid.u32  }
0x2: {  	s9 =	sand.u32 $0x1, s1;
	s30 =	sshll.u32 s0, $0x1  }
0x3: {  	s10 =	sor.u32 s9, s30  }
0x4: {  	s8 =	rddreg [dreg:$0x0];
	s3 =	smul.u32 $0x60, s10  }
0x5: {  	s2 =	simm.s32 $0x0;
	s1 =	rddreg [dreg:$0x1]  }
0x6: {  	[smem:$0x7FF] =	sst s2;
	s3 =	sadd.s32 s3, s8  }
0x7: {  	_ =	strace $0x80000050;
	s4 =	sadd.s32 $0x1C600, s3;
	s3 =	simm.s32 $0x2  }
0x8: {  	[tilespmem:s2], [sflag:$0x2] =	stream.linear.gather [hbm4b:s4+s2], $0x300, $0x38;
	[tilespmem:$0x680] =	vst v63  }
0x9: {  	_ =	swait.ge [sflag:s3], $0x300  }
0xa: {  	s6 =	simm.s32 $0x300;
	[sflag:s3] =	ssyncset.done $0x0  }
0xb: {  	s7 =	simm.s32 $0x1;
	s5 =	sadd.s32 $0x4600, s8;
	[sflag:s3] =	ssyncadd.s32 $0xFFFFFD00  }
0xc: {  	[tilespmem:s6], [sflag:$0x1] =	stream.indirect.gather [hbm4b:s5+s6], $0x1, s2, s6, $0xb8;
	[tilespmem:$0x680] =	vst v63  }
0xd: {  	_ =	swait.ge [sflag:s7], $0x300  }
0xe: {  	[sflag:s7] =	ssyncset.done $0x0  }
0xf: {  	[sflag:s7] =	ssyncadd.s32 $0xFFFFFD00  }
0x10: {  	v0 =	vld [tilespmem:$0x300];
	_ =	sdelay $0x1  }
0x11: {  	v1 =	vld [tilespmem:$0x310];
	_ =	sdelay $0x1  }
0x12: {  	v2 =	vld [tilespmem:$0x320]  }
0x13: {  	v0 =	vadd.f32 $0.0e+00, v0  }
0x14: {  	v3 =	vld [tilespmem:$0x330]  }
0x15: {  	v0 =	vadd.f32 v1, v0  }
0x16: {  	v20 =	vld [tilespmem:$0x340]  }
0x17: {  	v0 =	vadd.f32 v2, v0  }
0x18: {  	v21 =	vld [tilespmem:$0x350]  }
0x19: {  	v0 =	vadd.f32 v3, v0  }
0x1a: {  	v22 =	vld [tilespmem:$0x360]  }
0x1b: {  	v0 =	vadd.f32 v20, v0  }
0x1c: {  	v23 =	vld [tilespmem:$0x370]  }
0x1d: {  	v0 =	vadd.f32 v21, v0  }
0x1e: {  	v24 =	vld [tilespmem:$0x380]  }
0x1f: {  	v0 =	vadd.f32 v22, v0  }
0x20: {  	v25 =	vld [tilespmem:$0x390]  }
0x21: {  	v0 =	vadd.f32 v23, v0  }
0x22: {  	v26 =	vld [tilespmem:$0x3A0]  }
0x23: {  	v0 =	vadd.f32 v24, v0  }
0x24: {  	v27 =	vld [tilespmem:$0x3B0]  }
0x25: {  	v0 =	vadd.f32 v25, v0  }
0x26: {  	v28 =	vld [tilespmem:$0x3C0]  }
0x27: {  	v0 =	vadd.f32 v26, v0  }
0x28: {  	v29 =	vld [tilespmem:$0x3D0]  }
0x29: {  	v0 =	vadd.f32 v27, v0  }
0x2a: {  	v30 =	vld [tilespmem:$0x3E0]  }
0x2b: {  	v0 =	vadd.f32 v28, v0  }
0x2c: {  	v31 =	vld [tilespmem:$0x3F0]  }
0x2d: {  	v0 =	vadd.f32 v29, v0  }
0x2e: {  	v32 =	vld [tilespmem:$0x400]  }
0x2f: {  	v0 =	vadd.f32 v30, v0  }
0x30: {  	v33 =	vld [tilespmem:$0x410]  }
0x31: {  	v0 =	vadd.f32 v31, v0  }
0x32: {  	v34 =	vld [tilespmem:$0x420]  }
0x33: {  	v0 =	vadd.f32 v32, v0  }
0x34: {  	v35 =	vld [tilespmem:$0x430]  }
0x35: {  	v0 =	vadd.f32 v33, v0  }
0x36: {  	v36 =	vld [tilespmem:$0x440]  }
0x37: {  	v0 =	vadd.f32 v34, v0  }
0x38: {  	v37 =	vld [tilespmem:$0x450]  }
0x39: {  	v0 =	vadd.f32 v35, v0  }
0x3a: {  	v38 =	vld [tilespmem:$0x460]  }
0x3b: {  	v0 =	vadd.f32 v36, v0  }
0x3c: {  	v39 =	vld [tilespmem:$0x470]  }
0x3d: {  	v0 =	vadd.f32 v37, v0  }
0x3e: {  	v40 =	vld [tilespmem:$0x480]  }
0x3f: {  	v0 =	vadd.f32 v38, v0  }
0x40: {  	v41 =	vld [tilespmem:$0x490]  }
0x41: {  	v0 =	vadd.f32 v39, v0  }
0x42: {  	v42 =	vld [tilespmem:$0x4A0]  }
0x43: {  	v0 =	vadd.f32 v40, v0  }
0x44: {  	v43 =	vld [tilespmem:$0x4B0]  }
0x45: {  	v0 =	vadd.f32 v41, v0  }
0x46: {  	v44 =	vld [tilespmem:$0x4C0]  }
0x47: {  	v0 =	vadd.f32 v42, v0  }
0x48: {  	v45 =	vld [tilespmem:$0x4D0]  }
0x49: {  	v0 =	vadd.f32 v43, v0  }
0x4a: {  	v46 =	vld [tilespmem:$0x4E0]  }
0x4b: {  	v0 =	vadd.f32 v44, v0  }
0x4c: {  	v47 =	vld [tilespmem:$0x4F0]  }
0x4d: {  	v0 =	vadd.f32 v45, v0  }
0x4e: {  	v48 =	vld [tilespmem:$0x500]  }
0x4f: {  	v0 =	vadd.f32 v46, v0  }
0x50: {  	v49 =	vld [tilespmem:$0x510]  }
0x51: {  	v0 =	vadd.f32 v47, v0  }
0x52: {  	v50 =	vld [tilespmem:$0x520]  }
0x53: {  	v0 =	vadd.f32 v48, v0  }
0x54: {  	v51 =	vld [tilespmem:$0x530]  }
0x55: {  	v0 =	vadd.f32 v49, v0  }
0x56: {  	v52 =	vld [tilespmem:$0x540]  }
0x57: {  	v0 =	vadd.f32 v50, v0  }
0x58: {  	v53 =	vld [tilespmem:$0x550]  }
0x59: {  	v0 =	vadd.f32 v51, v0  }
0x5a: {  	v54 =	vld [tilespmem:$0x560]  }
0x5b: {  	v0 =	vadd.f32 v52, v0  }
0x5c: {  	v55 =	vld [tilespmem:$0x570]  }
0x5d: {  	v0 =	vadd.f32 v53, v0  }
0x5e: {  	v56 =	vld [tilespmem:$0x580]  }
0x5f: {  	v0 =	vadd.f32 v54, v0  }
0x60: {  	v57 =	vld [tilespmem:$0x590]  }
0x61: {  	v0 =	vadd.f32 v55, v0  }
0x62: {  	v58 =	vld [tilespmem:$0x5A0]  }
0x63: {  	v0 =	vadd.f32 v56, v0  }
0x64: {  	v59 =	vld [tilespmem:$0x5B0]  }
0x65: {  	v0 =	vadd.f32 v57, v0  }
0x66: {  	v60 =	vld [tilespmem:$0x5C0]  }
0x67: {  	v0 =	vadd.f32 v58, v0  }
0x68: {  	v61 =	vld [tilespmem:$0x5D0]  }
0x69: {  	v0 =	vadd.f32 v59, v0  }
0x6a: {  	v62 =	vld [tilespmem:$0x5E0]  }
0x6b: {  	v0 =	vadd.f32 v60, v0  }
0x6c: {  	v63 =	vld [tilespmem:$0x5F0]  }
0x6d: {  	s9 =	ssub.s32 $0x2, s9;
	v0 =	vadd.f32 v61, v0  }
0x6e: {  	s11 =	sshrl.u32 s9, $0x1  }
0x6f: {  	s9 =	ssub.s32 s9, s11;
	v0 =	vadd.f32 v62, v0  }
0x70: {  	s31 =	smax.u32 s9, $0x1  }
0x71: {  	s10 =	sshll.u32 s10, $0x4;
	p0 =	sne.s32 s31, $0x1;
	v0 =	vadd.f32 v63, v0  }
.Ltmp0:
0x72: {  	s8 =	sadd.s32 s10, s8;
	(pc) =	sbr.rel @!p0 .LBB2_2-.Ltmp0, $4  }
0x73: {  	s9 =	simm.s32 $0x600;
	s8 =	sadd.s32 $0x1D200, s8;
	[tilespmem:$0x600] =	vst v0  }
0x74: {  	[hbm4b:s8+s2] =	stream.linear.scatter [tilespmem:s9], [sflag:$0x2], $0x80, $0x38;
	[tilespmem:$0x680] =	vst v63  }
0x75: {  	_ =	swait.ge [sflag:s3], $0x80  }
0x76: {  	s10 =	sadd.s32 $0xFFFFFFFF, s31;
	[sflag:s3] =	ssyncset.done $0x0  }
.LBB2_1:
0x77: {  	p0 =	sne.s32 s10, $0x1;
	s10 =	sadd.s32 $0xFFFFFFFF, s10;
	[sflag:s3] =	ssyncadd.s32 $0xFFFFFF80  }
0x78: {  	[tilespmem:s2], [sflag:$0x2] =	stream.linear.gather [hbm4b:s4+s2], $0x300, $0x38;
	[tilespmem:$0x680] =	vst v63  }
0x79: {  	_ =	swait.ge [sflag:s3], $0x300  }
0x7a: {  	[sflag:s3] =	ssyncset.done $0x0  }
0x7b: {  	[sflag:s3] =	ssyncadd.s32 $0xFFFFFD00  }
0x7c: {  	[tilespmem:s6], [sflag:$0x1] =	stream.indirect.gather [hbm4b:s5+s6], $0x1, s2, s6, $0xb8;
	[tilespmem:$0x680] =	vst v63  }
0x7d: {  	_ =	swait.ge [sflag:s7], $0x300  }
0x7e: {  	[sflag:s7] =	ssyncset.done $0x0  }
0x7f: {  	[sflag:s7] =	ssyncadd.s32 $0xFFFFFD00  }
0x80: {  	v0 =	vld [tilespmem:$0x300];
	_ =	sdelay $0x1  }
0x81: {  	v1 =	vld [tilespmem:$0x310];
	_ =	sdelay $0x1  }
0x82: {  	v2 =	vld [tilespmem:$0x320]  }
0x83: {  	v0 =	vadd.f32 $0.0e+00, v0  }
0x84: {  	v3 =	vld [tilespmem:$0x330]  }
0x85: {  	v0 =	vadd.f32 v1, v0  }
0x86: {  	v1 =	vld [tilespmem:$0x340]  }
0x87: {  	v0 =	vadd.f32 v2, v0  }
0x88: {  	v2 =	vld [tilespmem:$0x350]  }
0x89: {  	v0 =	vadd.f32 v3, v0  }
0x8a: {  	v3 =	vld [tilespmem:$0x360]  }
0x8b: {  	v0 =	vadd.f32 v1, v0  }
0x8c: {  	v1 =	vld [tilespmem:$0x370]  }
0x8d: {  	v0 =	vadd.f32 v2, v0  }
0x8e: {  	v2 =	vld [tilespmem:$0x380]  }
0x8f: {  	v0 =	vadd.f32 v3, v0  }
0x90: {  	v3 =	vld [tilespmem:$0x390]  }
0x91: {  	v0 =	vadd.f32 v1, v0  }
0x92: {  	v1 =	vld [tilespmem:$0x3A0]  }
0x93: {  	v0 =	vadd.f32 v2, v0  }
0x94: {  	v2 =	vld [tilespmem:$0x3B0]  }
0x95: {  	v0 =	vadd.f32 v3, v0  }
0x96: {  	v3 =	vld [tilespmem:$0x3C0]  }
0x97: {  	v0 =	vadd.f32 v1, v0  }
0x98: {  	v1 =	vld [tilespmem:$0x3D0]  }
0x99: {  	v0 =	vadd.f32 v2, v0  }
0x9a: {  	v2 =	vld [tilespmem:$0x3E0]  }
0x9b: {  	v0 =	vadd.f32 v3, v0  }
0x9c: {  	v3 =	vld [tilespmem:$0x3F0]  }
0x9d: {  	v0 =	vadd.f32 v1, v0  }
0x9e: {  	v1 =	vld [tilespmem:$0x400]  }
0x9f: {  	v0 =	vadd.f32 v2, v0  }
0xa0: {  	v2 =	vld [tilespmem:$0x410]  }
0xa1: {  	v0 =	vadd.f32 v3, v0  }
0xa2: {  	v3 =	vld [tilespmem:$0x420]  }
0xa3: {  	v0 =	vadd.f32 v1, v0  }
0xa4: {  	v1 =	vld [tilespmem:$0x430]  }
0xa5: {  	v0 =	vadd.f32 v2, v0  }
0xa6: {  	v2 =	vld [tilespmem:$0x440]  }
0xa7: {  	v0 =	vadd.f32 v3, v0  }
0xa8: {  	v3 =	vld [tilespmem:$0x450]  }
0xa9: {  	v0 =	vadd.f32 v1, v0  }
0xaa: {  	v1 =	vld [tilespmem:$0x460]  }
0xab: {  	v0 =	vadd.f32 v2, v0  }
0xac: {  	v2 =	vld [tilespmem:$0x470]  }
0xad: {  	v0 =	vadd.f32 v3, v0  }
0xae: {  	v3 =	vld [tilespmem:$0x480]  }
0xaf: {  	v0 =	vadd.f32 v1, v0  }
0xb0: {  	v1 =	vld [tilespmem:$0x490]  }
0xb1: {  	v0 =	vadd.f32 v2, v0  }
0xb2: {  	v2 =	vld [tilespmem:$0x4A0]  }
0xb3: {  	v0 =	vadd.f32 v3, v0  }
0xb4: {  	v3 =	vld [tilespmem:$0x4B0]  }
0xb5: {  	v0 =	vadd.f32 v1, v0  }
0xb6: {  	v1 =	vld [tilespmem:$0x4C0]  }
0xb7: {  	v0 =	vadd.f32 v2, v0  }
0xb8: {  	v2 =	vld [tilespmem:$0x4D0]  }
0xb9: {  	v0 =	vadd.f32 v3, v0  }
0xba: {  	v3 =	vld [tilespmem:$0x4E0]  }
0xbb: {  	v0 =	vadd.f32 v1, v0  }
0xbc: {  	v1 =	vld [tilespmem:$0x4F0]  }
0xbd: {  	v0 =	vadd.f32 v2, v0  }
0xbe: {  	v2 =	vld [tilespmem:$0x500]  }
0xbf: {  	v0 =	vadd.f32 v3, v0  }
0xc0: {  	v3 =	vld [tilespmem:$0x510]  }
0xc1: {  	v0 =	vadd.f32 v1, v0  }
0xc2: {  	v1 =	vld [tilespmem:$0x520]  }
0xc3: {  	v0 =	vadd.f32 v2, v0  }
0xc4: {  	v2 =	vld [tilespmem:$0x530]  }
0xc5: {  	v0 =	vadd.f32 v3, v0  }
0xc6: {  	v3 =	vld [tilespmem:$0x540]  }
0xc7: {  	v0 =	vadd.f32 v1, v0  }
0xc8: {  	v1 =	vld [tilespmem:$0x550]  }
0xc9: {  	v0 =	vadd.f32 v2, v0  }
0xca: {  	v2 =	vld [tilespmem:$0x560]  }
0xcb: {  	v0 =	vadd.f32 v3, v0  }
0xcc: {  	v3 =	vld [tilespmem:$0x570]  }
0xcd: {  	v0 =	vadd.f32 v1, v0  }
0xce: {  	v1 =	vld [tilespmem:$0x580]  }
0xcf: {  	v0 =	vadd.f32 v2, v0  }
0xd0: {  	v2 =	vld [tilespmem:$0x590]  }
0xd1: {  	v0 =	vadd.f32 v3, v0  }
0xd2: {  	v3 =	vld [tilespmem:$0x5A0]  }
0xd3: {  	v0 =	vadd.f32 v1, v0  }
0xd4: {  	v1 =	vld [tilespmem:$0x5B0]  }
0xd5: {  	v0 =	vadd.f32 v2, v0  }
0xd6: {  	v2 =	vld [tilespmem:$0x5C0]  }
0xd7: {  	v0 =	vadd.f32 v3, v0  }
0xd8: {  	v3 =	vld [tilespmem:$0x5D0]  }
0xd9: {  	v0 =	vadd.f32 v1, v0  }
0xda: {  	v1 =	vld [tilespmem:$0x5E0]  }
0xdb: {  	v0 =	vadd.f32 v2, v0  }
0xdc: {  	v2 =	vld [tilespmem:$0x5F0]  }
0xdd: {  	v0 =	vadd.f32 v3, v0;
	_ =	sdelay $0x1  }
0xde: {  	v0 =	vadd.f32 v1, v0;
	_ =	sdelay $0x1  }
0xdf: {  	v0 =	vadd.f32 v2, v0  }
.Ltmp1:
0xe0: {  	(pc) =	sbr.rel @p0 .LBB2_1-.Ltmp1, $4  }
0xe1: {  	[tilespmem:$0x600] =	vst v0  }
0xe2: {  	[hbm4b:s8+s2] =	stream.linear.scatter [tilespmem:s9], [sflag:$0x2], $0x80, $0x38;
	[tilespmem:$0x680] =	vst v63  }
0xe3: {  	_ =	swait.ge [sflag:s3], $0x80  }
0xe4: {  	[sflag:s3] =	ssyncset.done $0x0  }
.LBB2_2:
0xe5: {  	[sflag:s3] =	ssyncadd.s32 $0xFFFFFF80  }
0xe6: {  	_ =	sfence.sel $0x180000  }
0xe7: {  	[bflag:$0x0] =	sbarrier.arrive $0xFFFF  }
0xe8: {  	p0 =	sne.s32 s0, $0x0;
	_ =	strace $0x90000050  }
0xe9: {  	s0 =	sadd.s32 @!p0 $0x100000, s1;
	[bflag:$0x2] =	sbarrier.arrive $0xFFFF  }
0xea: {  	[sflag:s0] =	ssyncadd.tile.s32 @!p0 $0x1;
	_ =	shalt  }
.Lfunc_end2:
_tile_overlayer_lowered:
.L_overlay_start_2:
0xeb: {  	(tag) =	ssettag $0x2  }
0xec: {  	s0 =	rddreg [dreg:$0x0];
	s2 =	stileid.u32  }
0xed: {  	s1 =	rddreg [dreg:$0x1];
	p0 =	sne.s32 s2, $0x0  }
0xee: {  	s3 =	rddreg [dreg:$0x2];
	[bflag:$0x3] =	sbarrier.arrive $0xFFFF;
	s2 =	simm.s32 @!p0 $0x1C02  }
0xef: {  	[timem:s3], [sflag:s2] =	dma.local @!p0 [hbm:s0], s1  }
0xf0: {  	s0 =	simm.s32 @!p0 $0x2  }
0xf1: {  	_ =	swait.ge @!p0 [sflag:s0], s1  }
0xf2: {  	s1 =	ssub.s32 @!p0 $0x0, s1;
	[sflag:s0] =	ssyncset.done @!p0 $0x0  }
0xf3: {  	[sflag:s0] =	ssyncadd.s32 @!p0 s1  }
0xf4: {  	[bflag:$0x3] =	sbarrier.arrive $0xFFFF  }
0xf5: {  	_ =	shalt  }

</sc_bundles>
